<compile_context>
chip_gen: v7x
topology: tpu7x:2x2x1
jax: 0.10.2.dev20260603
libtpu: 0.0.44.dev20260713+nightly
codegen_flags: <defaults>
</compile_context>

<pallas_src>
import functools

import jax
import jax.numpy as jnp
from jax import lax
from jax.experimental import pallas as pl
from jax.experimental.pallas import tpu as pltpu
from jax.experimental.pallas import tpu_sc as plsc

_MARGIN = 1.0
_NC = 2
_NS = 16
_L = 16
_NW = _NC * _NS

_CHUNK = 8192
_UNROLL = 8

_N = 4194304
_SC_N = 1572864
_LANES = 128
_TC_BLK_ROWS = 2048


def _sc_partial_max(y_hat, y):
    per_w = _SC_N // _NW
    n_chunks = per_w // _CHUNK

    mesh = plsc.VectorSubcoreMesh(core_axis_name="c", subcore_axis_name="s")

    @functools.partial(
        pl.kernel,
        mesh=mesh,
        out_type=jax.ShapeDtypeStruct((_NW, 2, _L), jnp.float32),
        scratch_types=[
            pltpu.VMEM((_CHUNK,), jnp.float32),
            pltpu.VMEM((_CHUNK,), jnp.float32),
            pltpu.VMEM((_CHUNK,), jnp.int32),
            pltpu.VMEM((_CHUNK,), jnp.int32),
            pltpu.VMEM((_L,), jnp.float32),
            pltpu.VMEM((_L,), jnp.float32),
            pltpu.SemaphoreType.DMA,
            pltpu.SemaphoreType.DMA,
        ],
    )
    def k(yh_hbm, y_hbm, out_hbm, yh0, yh1, y0, y1, pv, nv, sem0, sem1):
        wid = lax.axis_index("c") * _NS + lax.axis_index("s")
        base = wid * per_w
        yh_bufs = (yh0, yh1)
        y_bufs = (y0, y1)
        sems = (sem0, sem1)

        neg = jnp.full((_L,), -jnp.inf, dtype=jnp.float32)

        copies = []
        for b in range(2):
            off = base + b * _CHUNK
            copies.append((
                pltpu.async_copy(yh_hbm.at[pl.ds(off, _CHUNK)], yh_bufs[b], sems[b]),
                pltpu.async_copy(y_hbm.at[pl.ds(off, _CHUNK)], y_bufs[b], sems[b]),
            ))

        def chunk_reduce(yhb, yb, accs):
            def body(i, accs):
                out = []
                for j in range(_UNROLL):
                    o = (i * _UNROLL + j) * _L
                    yh = yhb[pl.ds(o, _L)]
                    yv = yb[pl.ds(o, _L)]
                    m = yv > 0
                    p, q = accs[j]
                    out.append((
                        jnp.maximum(p, jnp.where(m, yh, neg)),
                        jnp.maximum(q, jnp.where(m, neg, yh)),
                    ))
                return tuple(out)
            return plsc.parallel_loop(
                0, _CHUNK // (_L * _UNROLL), 1, unroll=2, carry=accs)(body)

        accs = tuple((neg, neg) for _ in range(_UNROLL))
        for c in range(n_chunks):
            b = c % 2
            c_yh, c_y = copies[b]
            c_yh.wait()
            c_y.wait()
            accs = chunk_reduce(yh_bufs[b], y_bufs[b], accs)
            if c + 2 < n_chunks:
                off = base + (c + 2) * _CHUNK
                copies[b] = (
                    pltpu.async_copy(yh_hbm.at[pl.ds(off, _CHUNK)], yh_bufs[b], sems[b]),
                    pltpu.async_copy(y_hbm.at[pl.ds(off, _CHUNK)], y_bufs[b], sems[b]),
                )

        pacc = accs[0][0]
        nacc = accs[0][1]
        for j in range(1, _UNROLL):
            pacc = jnp.maximum(pacc, accs[j][0])
            nacc = jnp.maximum(nacc, accs[j][1])

        pv[...] = pacc
        nv[...] = nacc
        pltpu.sync_copy(pv, out_hbm.at[wid, 0])
        pltpu.sync_copy(nv, out_hbm.at[wid, 1])

    return k(y_hat, y)


def _tc_kernel(yh_ref, y_ref, out_ref):
    i = pl.program_id(0)

    @pl.when(i == 0)
    def _():
        out_ref[...] = jnp.full((1, 2), -jnp.inf, dtype=jnp.float32)

    yh = yh_ref[...]
    m = y_ref[...] > 0
    neg = jnp.float32(-jnp.inf)
    pos = jnp.max(jnp.where(m, yh, neg))
    negm = jnp.max(jnp.where(m, neg, yh))
    out_ref[...] = jnp.maximum(out_ref[...], jnp.stack([pos, negm]).reshape(1, 2))


def _tc_partial_max(y_hat, y):
    yh2 = y_hat.reshape(_N // _LANES, _LANES)
    y2 = y.reshape(_N // _LANES, _LANES)
    blk0 = _SC_N // (_TC_BLK_ROWS * _LANES)
    n_blocks = (_N - _SC_N) // (_TC_BLK_ROWS * _LANES)
    return pl.pallas_call(
        _tc_kernel,
        grid=(n_blocks,),
        in_specs=[
            pl.BlockSpec((_TC_BLK_ROWS, _LANES), lambda i: (blk0 + i, 0)),
            pl.BlockSpec((_TC_BLK_ROWS, _LANES), lambda i: (blk0 + i, 0)),
        ],
        out_specs=pl.BlockSpec((1, 2), lambda i: (0, 0)),
        out_shape=jax.ShapeDtypeStruct((1, 2), jnp.float32),
    )(yh2, y2)


def kernel(y_hat, y):
    y = y.astype(jnp.int32)
    sc_parts = _sc_partial_max(y_hat, y)
    tc_parts = _tc_partial_max(y_hat, y)
    pos_max = jnp.maximum(jnp.max(sc_parts[:, 0, :]), tc_parts[0, 0])
    neg_max = jnp.maximum(jnp.max(sc_parts[:, 1, :]), tc_parts[0, 1])
    return jax.nn.relu(jnp.float32(_MARGIN) - pos_max + neg_max)

# --- scband reference (transcript-rebuilt; emitter-appended) ---
"""Pipeline reference for scband-objective-hinge-loss-45569603010961 (READ-ONLY COPY).

The authoritative reference and input builder live on the scoring server;
editing this copy changes nothing except your own understanding.
"""

import jax, jax.numpy as jnp
import numpy as np

LOSS_MARGIN = 1.0
N = 4194304

def setup_inputs(seed: int = 0) -> dict:
    key = jax.random.key(seed)
    k1, k2 = jax.random.split(key)
    y_hat = jax.random.normal(k1, (N,), dtype=jnp.float32)
    y = jax.random.randint(k2, (N,), 0, 2, dtype=jnp.int64)
    return {"y_hat": y_hat, "y": y}

def reference(y_hat, y):
    # Faithful translation of:
    #   indexes_pos = (y > 0).nonzero(); indexes_neg = (y <= 0).nonzero()
    #   relu(margin - y_hat[pos].max() + y_hat[neg].max())
    # Masked-max is mathematically identical to gather-then-max.
    neg_inf = jnp.array(-jnp.inf, dtype=y_hat.dtype)
    pos_max = jnp.max(jnp.where(y > 0, y_hat, neg_inf))
    neg_max = jnp.max(jnp.where(y <= 0, y_hat, neg_inf))
    return jax.nn.relu(LOSS_MARGIN - pos_max + neg_max)

if __name__ == "__main__":
    import jax
    _d = setup_inputs()
    print(jax.jit(kernel)(*tuple(_d.values())))

</pallas_src>

<mosaic_0001>
#map = affine_map<(d0, d1) -> (0)>
#map1 = affine_map<(d0, d1) -> (0, 0, 0)>
module attributes {stable_mosaic.version = 14 : i64} {
  func.func @k(%arg0: i32, %arg1: i32, %arg2: memref<4194304xf32, #tpu.memory_space<hbm>>, %arg3: memref<4194304xi32, #tpu.memory_space<hbm>>, %arg4: memref<32x2x16xf32, #tpu.memory_space<hbm>>, %arg5: memref<8192xf32, #tpu.memory_space<vmem>>, %arg6: memref<8192xf32, #tpu.memory_space<vmem>>, %arg7: memref<8192xi32, #tpu.memory_space<vmem>>, %arg8: memref<8192xi32, #tpu.memory_space<vmem>>, %arg9: memref<16xf32, #tpu.memory_space<vmem>>, %arg10: memref<16xf32, #tpu.memory_space<vmem>>, %arg11: memref<!tpu.dma_semaphore, #tpu.memory_space<semaphore_mem>>, %arg12: memref<!tpu.dma_semaphore, #tpu.memory_space<semaphore_mem>>) attributes {dimension_semantics = [#tpu.dimension_semantics<core_parallel>, #tpu.dimension_semantics<subcore_parallel>], iteration_bounds = array<i64: 2, 16>, scalar_prefetch = 0 : i64, scratch_operands = 8 : i64, tpu.core_type = #tpu.core_type<sc_vector_subcore>, window_params = [{transform_indices = #map}, {transform_indices = #map}, {transform_indices = #map1}]} {
    %mul3A = arith.constant 16 : i32
    %mul3A_0 = arith.muli %arg0, %mul3A : i32
    %add3A = arith.addi %mul3A_0, %arg1 : i32
    %mul3A_1 = arith.constant 49152 : i32
    %mul3A_2 = arith.muli %add3A, %mul3A_1 : i32
    %broadcast_in_dim3A = arith.constant 0xFF800000 : f32
    %broadcast_in_dim3A_3 = vector.broadcast %broadcast_in_dim3A : f32 to vector<16xf32>
    %add3A_4 = arith.constant 0 : i32
    %add3A_5 = arith.addi %mul3A_2, %add3A_4 : i32
    %dma_start3A = tpu.memref_slice %arg2[%add3A_5] : memref<4194304xf32, #tpu.memory_space<hbm>> -> memref<8192xf32, #tpu.memory_space<hbm>>
    %dma_start3A_6 = tpu.memref_slice %arg2[%add3A_5] : memref<4194304xf32, #tpu.memory_space<hbm>> -> memref<8192xf32, #tpu.memory_space<hbm>>
    tpu.enqueue_dma source(%dma_start3A_6 : memref<8192xf32, #tpu.memory_space<hbm>>) target(%arg5 : memref<8192xf32, #tpu.memory_space<vmem>>) target_semaphore(%arg11 : memref<!tpu.dma_semaphore, #tpu.memory_space<semaphore_mem>>)
    %dma_start3A_7 = tpu.memref_slice %arg3[%add3A_5] : memref<4194304xi32, #tpu.memory_space<hbm>> -> memref<8192xi32, #tpu.memory_space<hbm>>
    %dma_start3A_8 = tpu.memref_slice %arg3[%add3A_5] : memref<4194304xi32, #tpu.memory_space<hbm>> -> memref<8192xi32, #tpu.memory_space<hbm>>
    tpu.enqueue_dma source(%dma_start3A_8 : memref<8192xi32, #tpu.memory_space<hbm>>) target(%arg7 : memref<8192xi32, #tpu.memory_space<vmem>>) target_semaphore(%arg11 : memref<!tpu.dma_semaphore, #tpu.memory_space<semaphore_mem>>)
    %add3A_9 = arith.constant 8192 : i32
    %add3A_10 = arith.addi %mul3A_2, %add3A_9 : i32
    %dma_start3A_11 = tpu.memref_slice %arg2[%add3A_10] : memref<4194304xf32, #tpu.memory_space<hbm>> -> memref<8192xf32, #tpu.memory_space<hbm>>
    %dma_start3A_12 = tpu.memref_slice %arg2[%add3A_10] : memref<4194304xf32, #tpu.memory_space<hbm>> -> memref<8192xf32, #tpu.memory_space<hbm>>
    tpu.enqueue_dma source(%dma_start3A_12 : memref<8192xf32, #tpu.memory_space<hbm>>) target(%arg6 : memref<8192xf32, #tpu.memory_space<vmem>>) target_semaphore(%arg12 : memref<!tpu.dma_semaphore, #tpu.memory_space<semaphore_mem>>)
    %dma_start3A_13 = tpu.memref_slice %arg3[%add3A_10] : memref<4194304xi32, #tpu.memory_space<hbm>> -> memref<8192xi32, #tpu.memory_space<hbm>>
    %dma_start3A_14 = tpu.memref_slice %arg3[%add3A_10] : memref<4194304xi32, #tpu.memory_space<hbm>> -> memref<8192xi32, #tpu.memory_space<hbm>>
    tpu.enqueue_dma source(%dma_start3A_14 : memref<8192xi32, #tpu.memory_space<hbm>>) target(%arg8 : memref<8192xi32, #tpu.memory_space<vmem>>) target_semaphore(%arg12 : memref<!tpu.dma_semaphore, #tpu.memory_space<semaphore_mem>>)
    %dma_wait3A = tpu.memref_slice %arg2[%add3A_5] : memref<4194304xf32, #tpu.memory_space<hbm>> -> memref<8192xf32, #tpu.memory_space<hbm>>
    %dma_wait3A_15 = tpu.memref_slice %arg2[%add3A_5] : memref<4194304xf32, #tpu.memory_space<hbm>> -> memref<8192xf32, #tpu.memory_space<hbm>>
    tpu.wait_dma2 semaphore(%arg11 : memref<!tpu.dma_semaphore, #tpu.memory_space<semaphore_mem>>) src(%dma_wait3A_15 : memref<8192xf32, #tpu.memory_space<hbm>>) dst(%arg5 : memref<8192xf32, #tpu.memory_space<vmem>>)
    %dma_wait3A_16 = tpu.memref_slice %arg3[%add3A_5] : memref<4194304xi32, #tpu.memory_space<hbm>> -> memref<8192xi32, #tpu.memory_space<hbm>>
    %dma_wait3A_17 = tpu.memref_slice %arg3[%add3A_5] : memref<4194304xi32, #tpu.memory_space<hbm>> -> memref<8192xi32, #tpu.memory_space<hbm>>
    tpu.wait_dma2 semaphore(%arg11 : memref<!tpu.dma_semaphore, #tpu.memory_space<semaphore_mem>>) src(%dma_wait3A_17 : memref<8192xi32, #tpu.memory_space<hbm>>) dst(%arg7 : memref<8192xi32, #tpu.memory_space<vmem>>)
    %parallel_loop3A = arith.constant 0 : i32
    %parallel_loop3A_18 = arith.constant 64 : i32
    %parallel_loop3A_19 = arith.constant 1 : i32
    %parallel_loop3A_20:16 = scf.for %parallel_loop3A_106 = %parallel_loop3A to %parallel_loop3A_18 step %parallel_loop3A_19 iter_args(%parallel_loop3A_107 = %broadcast_in_dim3A_3, %parallel_loop3A_108 = %broadcast_in_dim3A_3, %parallel_loop3A_109 = %broadcast_in_dim3A_3, %parallel_loop3A_110 = %broadcast_in_dim3A_3, %parallel_loop3A_111 = %broadcast_in_dim3A_3, %parallel_loop3A_112 = %broadcast_in_dim3A_3, %parallel_loop3A_113 = %broadcast_in_dim3A_3, %parallel_loop3A_114 = %broadcast_in_dim3A_3, %parallel_loop3A_115 = %broadcast_in_dim3A_3, %parallel_loop3A_116 = %broadcast_in_dim3A_3, %parallel_loop3A_117 = %broadcast_in_dim3A_3, %parallel_loop3A_118 = %broadcast_in_dim3A_3, %parallel_loop3A_119 = %broadcast_in_dim3A_3, %parallel_loop3A_120 = %broadcast_in_dim3A_3, %parallel_loop3A_121 = %broadcast_in_dim3A_3, %parallel_loop3A_122 = %broadcast_in_dim3A_3) -> (vector<16xf32>, vector<16xf32>, vector<16xf32>, vector<16xf32>, vector<16xf32>, vector<16xf32>, vector<16xf32>, vector<16xf32>, vector<16xf32>, vector<16xf32>, vector<16xf32>, vector<16xf32>, vector<16xf32>, vector<16xf32>, vector<16xf32>, vector<16xf32>)  : i32 {
      %parallel_loop3A_123 = arith.constant 8 : i32
      %parallel_loop3A_124 = arith.muli %parallel_loop3A_106, %parallel_loop3A_123 : i32
      %parallel_loop3A_125 = arith.constant 0 : i32
      %parallel_loop3A_126 = arith.addi %parallel_loop3A_124, %parallel_loop3A_125 : i32
      %parallel_loop3A_127 = arith.constant 16 : i32
      %parallel_loop3A_128 = arith.muli %parallel_loop3A_126, %parallel_loop3A_127 : i32
      %parallel_loop3A_129 = arith.index_cast %parallel_loop3A_128 : i32 to index
      %parallel_loop3A_130 = tpu.vector_load %arg5[%parallel_loop3A_129] {strides = array<i32>} : memref<8192xf32, #tpu.memory_space<vmem>>, vector<16xf32>,
      %parallel_loop3A_131 = vector.shape_cast %parallel_loop3A_130 : vector<16xf32> to vector<16xf32>
      %parallel_loop3A_132 = arith.index_cast %parallel_loop3A_128 : i32 to index
      %parallel_loop3A_133 = tpu.vector_load %arg7[%parallel_loop3A_132] {strides = array<i32>} : memref<8192xi32, #tpu.memory_space<vmem>>, vector<16xi32>,
      %parallel_loop3A_134 = vector.shape_cast %parallel_loop3A_133 : vector<16xi32> to vector<16xi32>
      %parallel_loop3A_135 = arith.constant 0 : i32
      %parallel_loop3A_136 = vector.broadcast %parallel_loop3A_135 : i32 to vector<16xi32>
      %parallel_loop3A_137 = arith.cmpi sgt, %parallel_loop3A_134, %parallel_loop3A_136 : vector<16xi32>
      %parallel_loop3A_138 = arith.select %parallel_loop3A_137, %parallel_loop3A_131, %broadcast_in_dim3A_3 : vector<16xi1>, vector<16xf32>
      %parallel_loop3A_139 = arith.maximumf %parallel_loop3A_107, %parallel_loop3A_138 : vector<16xf32>
      %parallel_loop3A_140 = arith.select %parallel_loop3A_137, %broadcast_in_dim3A_3, %parallel_loop3A_131 : vector<16xi1>, vector<16xf32>
      %parallel_loop3A_141 = arith.maximumf %parallel_loop3A_108, %parallel_loop3A_140 : vector<16xf32>
      %parallel_loop3A_142 = arith.constant 8 : i32
      %parallel_loop3A_143 = arith.muli %parallel_loop3A_106, %parallel_loop3A_142 : i32
      %parallel_loop3A_144 = arith.constant 1 : i32
      %parallel_loop3A_145 = arith.addi %parallel_loop3A_143, %parallel_loop3A_144 : i32
      %parallel_loop3A_146 = arith.constant 16 : i32
      %parallel_loop3A_147 = arith.muli %parallel_loop3A_145, %parallel_loop3A_146 : i32
      %parallel_loop3A_148 = arith.index_cast %parallel_loop3A_147 : i32 to index
      %parallel_loop3A_149 = tpu.vector_load %arg5[%parallel_loop3A_148] {strides = array<i32>} : memref<8192xf32, #tpu.memory_space<vmem>>, vector<16xf32>,
      %parallel_loop3A_150 = vector.shape_cast %parallel_loop3A_149 : vector<16xf32> to vector<16xf32>
      %parallel_loop3A_151 = arith.index_cast %parallel_loop3A_147 : i32 to index
      %parallel_loop3A_152 = tpu.vector_load %arg7[%parallel_loop3A_151] {strides = array<i32>} : memref<8192xi32, #tpu.memory_space<vmem>>, vector<16xi32>,
      %parallel_loop3A_153 = vector.shape_cast %parallel_loop3A_152 : vector<16xi32> to vector<16xi32>
      %parallel_loop3A_154 = arith.constant 0 : i32
      %parallel_loop3A_155 = vector.broadcast %parallel_loop3A_154 : i32 to vector<16xi32>
      %parallel_loop3A_156 = arith.cmpi sgt, %parallel_loop3A_153, %parallel_loop3A_155 : vector<16xi32>
      %parallel_loop3A_157 = arith.select %parallel_loop3A_156, %parallel_loop3A_150, %broadcast_in_dim3A_3 : vector<16xi1>, vector<16xf32>
      %parallel_loop3A_158 = arith.maximumf %parallel_loop3A_109, %parallel_loop3A_157 : vector<16xf32>
      %parallel_loop3A_159 = arith.select %parallel_loop3A_156, %broadcast_in_dim3A_3, %parallel_loop3A_150 : vector<16xi1>, vector<16xf32>
      %parallel_loop3A_160 = arith.maximumf %parallel_loop3A_110, %parallel_loop3A_159 : vector<16xf32>
      %parallel_loop3A_161 = arith.constant 8 : i32
      %parallel_loop3A_162 = arith.muli %parallel_loop3A_106, %parallel_loop3A_161 : i32
      %parallel_loop3A_163 = arith.constant 2 : i32
      %parallel_loop3A_164 = arith.addi %parallel_loop3A_162, %parallel_loop3A_163 : i32
      %parallel_loop3A_165 = arith.constant 16 : i32
      %parallel_loop3A_166 = arith.muli %parallel_loop3A_164, %parallel_loop3A_165 : i32
      %parallel_loop3A_167 = arith.index_cast %parallel_loop3A_166 : i32 to index
      %parallel_loop3A_168 = tpu.vector_load %arg5[%parallel_loop3A_167] {strides = array<i32>} : memref<8192xf32, #tpu.memory_space<vmem>>, vector<16xf32>,
      %parallel_loop3A_169 = vector.shape_cast %parallel_loop3A_168 : vector<16xf32> to vector<16xf32>
      %parallel_loop3A_170 = arith.index_cast %parallel_loop3A_166 : i32 to index
      %parallel_loop3A_171 = tpu.vector_load %arg7[%parallel_loop3A_170] {strides = array<i32>} : memref<8192xi32, #tpu.memory_space<vmem>>, vector<16xi32>,
      %parallel_loop3A_172 = vector.shape_cast %parallel_loop3A_171 : vector<16xi32> to vector<16xi32>
      %parallel_loop3A_173 = arith.constant 0 : i32
      %parallel_loop3A_174 = vector.broadcast %parallel_loop3A_173 : i32 to vector<16xi32>
      %parallel_loop3A_175 = arith.cmpi sgt, %parallel_loop3A_172, %parallel_loop3A_174 : vector<16xi32>
      %parallel_loop3A_176 = arith.select %parallel_loop3A_175, %parallel_loop3A_169, %broadcast_in_dim3A_3 : vector<16xi1>, vector<16xf32>
      %parallel_loop3A_177 = arith.maximumf %parallel_loop3A_111, %parallel_loop3A_176 : vector<16xf32>
      %parallel_loop3A_178 = arith.select %parallel_loop3A_175, %broadcast_in_dim3A_3, %parallel_loop3A_169 : vector<16xi1>, vector<16xf32>
      %parallel_loop3A_179 = arith.maximumf %parallel_loop3A_112, %parallel_loop3A_178 : vector<16xf32>
      %parallel_loop3A_180 = arith.constant 8 : i32
      %parallel_loop3A_181 = arith.muli %parallel_loop3A_106, %parallel_loop3A_180 : i32
      %parallel_loop3A_182 = arith.constant 3 : i32
      %parallel_loop3A_183 = arith.addi %parallel_loop3A_181, %parallel_loop3A_182 : i32
      %parallel_loop3A_184 = arith.constant 16 : i32
      %parallel_loop3A_185 = arith.muli %parallel_loop3A_183, %parallel_loop3A_184 : i32
      %parallel_loop3A_186 = arith.index_cast %parallel_loop3A_185 : i32 to index
      %parallel_loop3A_187 = tpu.vector_load %arg5[%parallel_loop3A_186] {strides = array<i32>} : memref<8192xf32, #tpu.memory_space<vmem>>, vector<16xf32>,
      %parallel_loop3A_188 = vector.shape_cast %parallel_loop3A_187 : vector<16xf32> to vector<16xf32>
      %parallel_loop3A_189 = arith.index_cast %parallel_loop3A_185 : i32 to index
      %parallel_loop3A_190 = tpu.vector_load %arg7[%parallel_loop3A_189] {strides = array<i32>} : memref<8192xi32, #tpu.memory_space<vmem>>, vector<16xi32>,
      %parallel_loop3A_191 = vector.shape_cast %parallel_loop3A_190 : vector<16xi32> to vector<16xi32>
      %parallel_loop3A_192 = arith.constant 0 : i32
      %parallel_loop3A_193 = vector.broadcast %parallel_loop3A_192 : i32 to vector<16xi32>
      %parallel_loop3A_194 = arith.cmpi sgt, %parallel_loop3A_191, %parallel_loop3A_193 : vector<16xi32>
      %parallel_loop3A_195 = arith.select %parallel_loop3A_194, %parallel_loop3A_188, %broadcast_in_dim3A_3 : vector<16xi1>, vector<16xf32>
      %parallel_loop3A_196 = arith.maximumf %parallel_loop3A_113, %parallel_loop3A_195 : vector<16xf32>
      %parallel_loop3A_197 = arith.select %parallel_loop3A_194, %broadcast_in_dim3A_3, %parallel_loop3A_188 : vector<16xi1>, vector<16xf32>
      %parallel_loop3A_198 = arith.maximumf %parallel_loop3A_114, %parallel_loop3A_197 : vector<16xf32>
      %parallel_loop3A_199 = arith.constant 8 : i32
      %parallel_loop3A_200 = arith.muli %parallel_loop3A_106, %parallel_loop3A_199 : i32
      %parallel_loop3A_201 = arith.constant 4 : i32
      %parallel_loop3A_202 = arith.addi %parallel_loop3A_200, %parallel_loop3A_201 : i32
      %parallel_loop3A_203 = arith.constant 16 : i32
      %parallel_loop3A_204 = arith.muli %parallel_loop3A_202, %parallel_loop3A_203 : i32
      %parallel_loop3A_205 = arith.index_cast %parallel_loop3A_204 : i32 to index
      %parallel_loop3A_206 = tpu.vector_load %arg5[%parallel_loop3A_205] {strides = array<i32>} : memref<8192xf32, #tpu.memory_space<vmem>>, vector<16xf32>,
      %parallel_loop3A_207 = vector.shape_cast %parallel_loop3A_206 : vector<16xf32> to vector<16xf32>
      %parallel_loop3A_208 = arith.index_cast %parallel_loop3A_204 : i32 to index
      %parallel_loop3A_209 = tpu.vector_load %arg7[%parallel_loop3A_208] {strides = array<i32>} : memref<8192xi32, #tpu.memory_space<vmem>>, vector<16xi32>,
      %parallel_loop3A_210 = vector.shape_cast %parallel_loop3A_209 : vector<16xi32> to vector<16xi32>
      %parallel_loop3A_211 = arith.constant 0 : i32
      %parallel_loop3A_212 = vector.broadcast %parallel_loop3A_211 : i32 to vector<16xi32>
      %parallel_loop3A_213 = arith.cmpi sgt, %parallel_loop3A_210, %parallel_loop3A_212 : vector<16xi32>
      %parallel_loop3A_214 = arith.select %parallel_loop3A_213, %parallel_loop3A_207, %broadcast_in_dim3A_3 : vector<16xi1>, vector<16xf32>
      %parallel_loop3A_215 = arith.maximumf %parallel_loop3A_115, %parallel_loop3A_214 : vector<16xf32>
      %parallel_loop3A_216 = arith.select %parallel_loop3A_213, %broadcast_in_dim3A_3, %parallel_loop3A_207 : vector<16xi1>, vector<16xf32>
      %parallel_loop3A_217 = arith.maximumf %parallel_loop3A_116, %parallel_loop3A_216 : vector<16xf32>
      %parallel_loop3A_218 = arith.constant 8 : i32
      %parallel_loop3A_219 = arith.muli %parallel_loop3A_106, %parallel_loop3A_218 : i32
      %parallel_loop3A_220 = arith.constant 5 : i32
      %parallel_loop3A_221 = arith.addi %parallel_loop3A_219, %parallel_loop3A_220 : i32
      %parallel_loop3A_222 = arith.constant 16 : i32
      %parallel_loop3A_223 = arith.muli %parallel_loop3A_221, %parallel_loop3A_222 : i32
      %parallel_loop3A_224 = arith.index_cast %parallel_loop3A_223 : i32 to index
      %parallel_loop3A_225 = tpu.vector_load %arg5[%parallel_loop3A_224] {strides = array<i32>} : memref<8192xf32, #tpu.memory_space<vmem>>, vector<16xf32>,
      %parallel_loop3A_226 = vector.shape_cast %parallel_loop3A_225 : vector<16xf32> to vector<16xf32>
      %parallel_loop3A_227 = arith.index_cast %parallel_loop3A_223 : i32 to index
      %parallel_loop3A_228 = tpu.vector_load %arg7[%parallel_loop3A_227] {strides = array<i32>} : memref<8192xi32, #tpu.memory_space<vmem>>, vector<16xi32>,
      %parallel_loop3A_229 = vector.shape_cast %parallel_loop3A_228 : vector<16xi32> to vector<16xi32>
      %parallel_loop3A_230 = arith.constant 0 : i32
      %parallel_loop3A_231 = vector.broadcast %parallel_loop3A_230 : i32 to vector<16xi32>
      %parallel_loop3A_232 = arith.cmpi sgt, %parallel_loop3A_229, %parallel_loop3A_231 : vector<16xi32>
      %parallel_loop3A_233 = arith.select %parallel_loop3A_232, %parallel_loop3A_226, %broadcast_in_dim3A_3 : vector<16xi1>, vector<16xf32>
      %parallel_loop3A_234 = arith.maximumf %parallel_loop3A_117, %parallel_loop3A_233 : vector<16xf32>
      %parallel_loop3A_235 = arith.select %parallel_loop3A_232, %broadcast_in_dim3A_3, %parallel_loop3A_226 : vector<16xi1>, vector<16xf32>
      %parallel_loop3A_236 = arith.maximumf %parallel_loop3A_118, %parallel_loop3A_235 : vector<16xf32>
      %parallel_loop3A_237 = arith.constant 8 : i32
      %parallel_loop3A_238 = arith.muli %parallel_loop3A_106, %parallel_loop3A_237 : i32
      %parallel_loop3A_239 = arith.constant 6 : i32
      %parallel_loop3A_240 = arith.addi %parallel_loop3A_238, %parallel_loop3A_239 : i32
      %parallel_loop3A_241 = arith.constant 16 : i32
      %parallel_loop3A_242 = arith.muli %parallel_loop3A_240, %parallel_loop3A_241 : i32
      %parallel_loop3A_243 = arith.index_cast %parallel_loop3A_242 : i32 to index
      %parallel_loop3A_244 = tpu.vector_load %arg5[%parallel_loop3A_243] {strides = array<i32>} : memref<8192xf32, #tpu.memory_space<vmem>>, vector<16xf32>,
      %parallel_loop3A_245 = vector.shape_cast %parallel_loop3A_244 : vector<16xf32> to vector<16xf32>
      %parallel_loop3A_246 = arith.index_cast %parallel_loop3A_242 : i32 to index
      %parallel_loop3A_247 = tpu.vector_load %arg7[%parallel_loop3A_246] {strides = array<i32>} : memref<8192xi32, #tpu.memory_space<vmem>>, vector<16xi32>,
      %parallel_loop3A_248 = vector.shape_cast %parallel_loop3A_247 : vector<16xi32> to vector<16xi32>
      %parallel_loop3A_249 = arith.constant 0 : i32
      %parallel_loop3A_250 = vector.broadcast %parallel_loop3A_249 : i32 to vector<16xi32>
      %parallel_loop3A_251 = arith.cmpi sgt, %parallel_loop3A_248, %parallel_loop3A_250 : vector<16xi32>
      %parallel_loop3A_252 = arith.select %parallel_loop3A_251, %parallel_loop3A_245, %broadcast_in_dim3A_3 : vector<16xi1>, vector<16xf32>
      %parallel_loop3A_253 = arith.maximumf %parallel_loop3A_119, %parallel_loop3A_252 : vector<16xf32>
      %parallel_loop3A_254 = arith.select %parallel_loop3A_251, %broadcast_in_dim3A_3, %parallel_loop3A_245 : vector<16xi1>, vector<16xf32>
      %parallel_loop3A_255 = arith.maximumf %parallel_loop3A_120, %parallel_loop3A_254 : vector<16xf32>
      %parallel_loop3A_256 = arith.constant 8 : i32
      %parallel_loop3A_257 = arith.muli %parallel_loop3A_106, %parallel_loop3A_256 : i32
      %parallel_loop3A_258 = arith.constant 7 : i32
      %parallel_loop3A_259 = arith.addi %parallel_loop3A_257, %parallel_loop3A_258 : i32
      %parallel_loop3A_260 = arith.constant 16 : i32
      %parallel_loop3A_261 = arith.muli %parallel_loop3A_259, %parallel_loop3A_260 : i32
      %parallel_loop3A_262 = arith.index_cast %parallel_loop3A_261 : i32 to index
      %parallel_loop3A_263 = tpu.vector_load %arg5[%parallel_loop3A_262] {strides = array<i32>} : memref<8192xf32, #tpu.memory_space<vmem>>, vector<16xf32>,
      %parallel_loop3A_264 = vector.shape_cast %parallel_loop3A_263 : vector<16xf32> to vector<16xf32>
      %parallel_loop3A_265 = arith.index_cast %parallel_loop3A_261 : i32 to index
      %parallel_loop3A_266 = tpu.vector_load %arg7[%parallel_loop3A_265] {strides = array<i32>} : memref<8192xi32, #tpu.memory_space<vmem>>, vector<16xi32>,
      %parallel_loop3A_267 = vector.shape_cast %parallel_loop3A_266 : vector<16xi32> to vector<16xi32>
      %parallel_loop3A_268 = arith.constant 0 : i32
      %parallel_loop3A_269 = vector.broadcast %parallel_loop3A_268 : i32 to vector<16xi32>
      %parallel_loop3A_270 = arith.cmpi sgt, %parallel_loop3A_267, %parallel_loop3A_269 : vector<16xi32>
      %parallel_loop3A_271 = arith.select %parallel_loop3A_270, %parallel_loop3A_264, %broadcast_in_dim3A_3 : vector<16xi1>, vector<16xf32>
      %parallel_loop3A_272 = arith.maximumf %parallel_loop3A_121, %parallel_loop3A_271 : vector<16xf32>
      %parallel_loop3A_273 = arith.select %parallel_loop3A_270, %broadcast_in_dim3A_3, %parallel_loop3A_264 : vector<16xi1>, vector<16xf32>
      %parallel_loop3A_274 = arith.maximumf %parallel_loop3A_122, %parallel_loop3A_273 : vector<16xf32>
      scf.yield %parallel_loop3A_139, %parallel_loop3A_141, %parallel_loop3A_158, %parallel_loop3A_160, %parallel_loop3A_177, %parallel_loop3A_179, %parallel_loop3A_196, %parallel_loop3A_198, %parallel_loop3A_215, %parallel_loop3A_217, %parallel_loop3A_234, %parallel_loop3A_236, %parallel_loop3A_253, %parallel_loop3A_255, %parallel_loop3A_272, %parallel_loop3A_274 : vector<16xf32>, vector<16xf32>, vector<16xf32>, vector<16xf32>, vector<16xf32>, vector<16xf32>, vector<16xf32>, vector<16xf32>, vector<16xf32>, vector<16xf32>, vector<16xf32>, vector<16xf32>, vector<16xf32>, vector<16xf32>, vector<16xf32>, vector<16xf32>
    } {sc.loop_unroll_factor = 2 : i64, sc.parallel_access}
    %add3A_21 = arith.constant 16384 : i32
    %add3A_22 = arith.addi %mul3A_2, %add3A_21 : i32
    %dma_start3A_23 = tpu.memref_slice %arg2[%add3A_22] : memref<4194304xf32, #tpu.memory_space<hbm>> -> memref<8192xf32, #tpu.memory_space<hbm>>
    %dma_start3A_24 = tpu.memref_slice %arg2[%add3A_22] : memref<4194304xf32, #tpu.memory_space<hbm>> -> memref<8192xf32, #tpu.memory_space<hbm>>
    tpu.enqueue_dma source(%dma_start3A_24 : memref<8192xf32, #tpu.memory_space<hbm>>) target(%arg5 : memref<8192xf32, #tpu.memory_space<vmem>>) target_semaphore(%arg11 : memref<!tpu.dma_semaphore, #tpu.memory_space<semaphore_mem>>)
    %dma_start3A_25 = tpu.memref_slice %arg3[%add3A_22] : memref<4194304xi32, #tpu.memory_space<hbm>> -> memref<8192xi32, #tpu.memory_space<hbm>>
    %dma_start3A_26 = tpu.memref_slice %arg3[%add3A_22] : memref<4194304xi32, #tpu.memory_space<hbm>> -> memref<8192xi32, #tpu.memory_space<hbm>>
    tpu.enqueue_dma source(%dma_start3A_26 : memref<8192xi32, #tpu.memory_space<hbm>>) target(%arg7 : memref<8192xi32, #tpu.memory_space<vmem>>) target_semaphore(%arg11 : memref<!tpu.dma_semaphore, #tpu.memory_space<semaphore_mem>>)
    %dma_wait3A_27 = tpu.memref_slice %arg2[%add3A_10] : memref<4194304xf32, #tpu.memory_space<hbm>> -> memref<8192xf32, #tpu.memory_space<hbm>>
    %dma_wait3A_28 = tpu.memref_slice %arg2[%add3A_10] : memref<4194304xf32, #tpu.memory_space<hbm>> -> memref<8192xf32, #tpu.memory_space<hbm>>
    tpu.wait_dma2 semaphore(%arg12 : memref<!tpu.dma_semaphore, #tpu.memory_space<semaphore_mem>>) src(%dma_wait3A_28 : memref<8192xf32, #tpu.memory_space<hbm>>) dst(%arg6 : memref<8192xf32, #tpu.memory_space<vmem>>)
    %dma_wait3A_29 = tpu.memref_slice %arg3[%add3A_10] : memref<4194304xi32, #tpu.memory_space<hbm>> -> memref<8192xi32, #tpu.memory_space<hbm>>
    %dma_wait3A_30 = tpu.memref_slice %arg3[%add3A_10] : memref<4194304xi32, #tpu.memory_space<hbm>> -> memref<8192xi32, #tpu.memory_space<hbm>>
    tpu.wait_dma2 semaphore(%arg12 : memref<!tpu.dma_semaphore, #tpu.memory_space<semaphore_mem>>) src(%dma_wait3A_30 : memref<8192xi32, #tpu.memory_space<hbm>>) dst(%arg8 : memref<8192xi32, #tpu.memory_space<vmem>>)
    %parallel_loop3A_31 = arith.constant 0 : i32
    %parallel_loop3A_32 = arith.constant 64 : i32
    %parallel_loop3A_33 = arith.constant 1 : i32
    %parallel_loop3A_34:16 = scf.for %parallel_loop3A_106 = %parallel_loop3A_31 to %parallel_loop3A_32 step %parallel_loop3A_33 iter_args(%parallel_loop3A_107 = %parallel_loop3A_20#0, %parallel_loop3A_108 = %parallel_loop3A_20#1, %parallel_loop3A_109 = %parallel_loop3A_20#2, %parallel_loop3A_110 = %parallel_loop3A_20#3, %parallel_loop3A_111 = %parallel_loop3A_20#4, %parallel_loop3A_112 = %parallel_loop3A_20#5, %parallel_loop3A_113 = %parallel_loop3A_20#6, %parallel_loop3A_114 = %parallel_loop3A_20#7, %parallel_loop3A_115 = %parallel_loop3A_20#8, %parallel_loop3A_116 = %parallel_loop3A_20#9, %parallel_loop3A_117 = %parallel_loop3A_20#10, %parallel_loop3A_118 = %parallel_loop3A_20#11, %parallel_loop3A_119 = %parallel_loop3A_20#12, %parallel_loop3A_120 = %parallel_loop3A_20#13, %parallel_loop3A_121 = %parallel_loop3A_20#14, %parallel_loop3A_122 = %parallel_loop3A_20#15) -> (vector<16xf32>, vector<16xf32>, vector<16xf32>, vector<16xf32>, vector<16xf32>, vector<16xf32>, vector<16xf32>, vector<16xf32>, vector<16xf32>, vector<16xf32>, vector<16xf32>, vector<16xf32>, vector<16xf32>, vector<16xf32>, vector<16xf32>, vector<16xf32>)  : i32 {
      %parallel_loop3A_123 = arith.constant 8 : i32
      %parallel_loop3A_124 = arith.muli %parallel_loop3A_106, %parallel_loop3A_123 : i32
      %parallel_loop3A_125 = arith.constant 0 : i32
      %parallel_loop3A_126 = arith.addi %parallel_loop3A_124, %parallel_loop3A_125 : i32
      %parallel_loop3A_127 = arith.constant 16 : i32
      %parallel_loop3A_128 = arith.muli %parallel_loop3A_126, %parallel_loop3A_127 : i32
      %parallel_loop3A_129 = arith.index_cast %parallel_loop3A_128 : i32 to index
      %parallel_loop3A_130 = tpu.vector_load %arg6[%parallel_loop3A_129] {strides = array<i32>} : memref<8192xf32, #tpu.memory_space<vmem>>, vector<16xf32>,
      %parallel_loop3A_131 = vector.shape_cast %parallel_loop3A_130 : vector<16xf32> to vector<16xf32>
      %parallel_loop3A_132 = arith.index_cast %parallel_loop3A_128 : i32 to index
      %parallel_loop3A_133 = tpu.vector_load %arg8[%parallel_loop3A_132] {strides = array<i32>} : memref<8192xi32, #tpu.memory_space<vmem>>, vector<16xi32>,
      %parallel_loop3A_134 = vector.shape_cast %parallel_loop3A_133 : vector<16xi32> to vector<16xi32>
      %parallel_loop3A_135 = arith.constant 0 : i32
      %parallel_loop3A_136 = vector.broadcast %parallel_loop3A_135 : i32 to vector<16xi32>
      %parallel_loop3A_137 = arith.cmpi sgt, %parallel_loop3A_134, %parallel_loop3A_136 : vector<16xi32>
      %parallel_loop3A_138 = arith.select %parallel_loop3A_137, %parallel_loop3A_131, %broadcast_in_dim3A_3 : vector<16xi1>, vector<16xf32>
      %parallel_loop3A_139 = arith.maximumf %parallel_loop3A_107, %parallel_loop3A_138 : vector<16xf32>
      %parallel_loop3A_140 = arith.select %parallel_loop3A_137, %broadcast_in_dim3A_3, %parallel_loop3A_131 : vector<16xi1>, vector<16xf32>
      %parallel_loop3A_141 = arith.maximumf %parallel_loop3A_108, %parallel_loop3A_140 : vector<16xf32>
      %parallel_loop3A_142 = arith.constant 8 : i32
      %parallel_loop3A_143 = arith.muli %parallel_loop3A_106, %parallel_loop3A_142 : i32
      %parallel_loop3A_144 = arith.constant 1 : i32
      %parallel_loop3A_145 = arith.addi %parallel_loop3A_143, %parallel_loop3A_144 : i32
      %parallel_loop3A_146 = arith.constant 16 : i32
      %parallel_loop3A_147 = arith.muli %parallel_loop3A_145, %parallel_loop3A_146 : i32
      %parallel_loop3A_148 = arith.index_cast %parallel_loop3A_147 : i32 to index
      %parallel_loop3A_149 = tpu.vector_load %arg6[%parallel_loop3A_148] {strides = array<i32>} : memref<8192xf32, #tpu.memory_space<vmem>>, vector<16xf32>,
      %parallel_loop3A_150 = vector.shape_cast %parallel_loop3A_149 : vector<16xf32> to vector<16xf32>
      %parallel_loop3A_151 = arith.index_cast %parallel_loop3A_147 : i32 to index
      %parallel_loop3A_152 = tpu.vector_load %arg8[%parallel_loop3A_151] {strides = array<i32>} : memref<8192xi32, #tpu.memory_space<vmem>>, vector<16xi32>,
      %parallel_loop3A_153 = vector.shape_cast %parallel_loop3A_152 : vector<16xi32> to vector<16xi32>
      %parallel_loop3A_154 = arith.constant 0 : i32
      %parallel_loop3A_155 = vector.broadcast %parallel_loop3A_154 : i32 to vector<16xi32>
      %parallel_loop3A_156 = arith.cmpi sgt, %parallel_loop3A_153, %parallel_loop3A_155 : vector<16xi32>
      %parallel_loop3A_157 = arith.select %parallel_loop3A_156, %parallel_loop3A_150, %broadcast_in_dim3A_3 : vector<16xi1>, vector<16xf32>
      %parallel_loop3A_158 = arith.maximumf %parallel_loop3A_109, %parallel_loop3A_157 : vector<16xf32>
      %parallel_loop3A_159 = arith.select %parallel_loop3A_156, %broadcast_in_dim3A_3, %parallel_loop3A_150 : vector<16xi1>, vector<16xf32>
      %parallel_loop3A_160 = arith.maximumf %parallel_loop3A_110, %parallel_loop3A_159 : vector<16xf32>
      %parallel_loop3A_161 = arith.constant 8 : i32
      %parallel_loop3A_162 = arith.muli %parallel_loop3A_106, %parallel_loop3A_161 : i32
      %parallel_loop3A_163 = arith.constant 2 : i32
      %parallel_loop3A_164 = arith.addi %parallel_loop3A_162, %parallel_loop3A_163 : i32
      %parallel_loop3A_165 = arith.constant 16 : i32
      %parallel_loop3A_166 = arith.muli %parallel_loop3A_164, %parallel_loop3A_165 : i32
      %parallel_loop3A_167 = arith.index_cast %parallel_loop3A_166 : i32 to index
      %parallel_loop3A_168 = tpu.vector_load %arg6[%parallel_loop3A_167] {strides = array<i32>} : memref<8192xf32, #tpu.memory_space<vmem>>, vector<16xf32>,
      %parallel_loop3A_169 = vector.shape_cast %parallel_loop3A_168 : vector<16xf32> to vector<16xf32>
      %parallel_loop3A_170 = arith.index_cast %parallel_loop3A_166 : i32 to index
      %parallel_loop3A_171 = tpu.vector_load %arg8[%parallel_loop3A_170] {strides = array<i32>} : memref<8192xi32, #tpu.memory_space<vmem>>, vector<16xi32>,
      %parallel_loop3A_172 = vector.shape_cast %parallel_loop3A_171 : vector<16xi32> to vector<16xi32>
      %parallel_loop3A_173 = arith.constant 0 : i32
      %parallel_loop3A_174 = vector.broadcast %parallel_loop3A_173 : i32 to vector<16xi32>
      %parallel_loop3A_175 = arith.cmpi sgt, %parallel_loop3A_172, %parallel_loop3A_174 : vector<16xi32>
      %parallel_loop3A_176 = arith.select %parallel_loop3A_175, %parallel_loop3A_169, %broadcast_in_dim3A_3 : vector<16xi1>, vector<16xf32>
      %parallel_loop3A_177 = arith.maximumf %parallel_loop3A_111, %parallel_loop3A_176 : vector<16xf32>
      %parallel_loop3A_178 = arith.select %parallel_loop3A_175, %broadcast_in_dim3A_3, %parallel_loop3A_169 : vector<16xi1>, vector<16xf32>
      %parallel_loop3A_179 = arith.maximumf %parallel_loop3A_112, %parallel_loop3A_178 : vector<16xf32>
      %parallel_loop3A_180 = arith.constant 8 : i32
      %parallel_loop3A_181 = arith.muli %parallel_loop3A_106, %parallel_loop3A_180 : i32
      %parallel_loop3A_182 = arith.constant 3 : i32
      %parallel_loop3A_183 = arith.addi %parallel_loop3A_181, %parallel_loop3A_182 : i32
      %parallel_loop3A_184 = arith.constant 16 : i32
      %parallel_loop3A_185 = arith.muli %parallel_loop3A_183, %parallel_loop3A_184 : i32
      %parallel_loop3A_186 = arith.index_cast %parallel_loop3A_185 : i32 to index
      %parallel_loop3A_187 = tpu.vector_load %arg6[%parallel_loop3A_186] {strides = array<i32>} : memref<8192xf32, #tpu.memory_space<vmem>>, vector<16xf32>,
      %parallel_loop3A_188 = vector.shape_cast %parallel_loop3A_187 : vector<16xf32> to vector<16xf32>
      %parallel_loop3A_189 = arith.index_cast %parallel_loop3A_185 : i32 to index
      %parallel_loop3A_190 = tpu.vector_load %arg8[%parallel_loop3A_189] {strides = array<i32>} : memref<8192xi32, #tpu.memory_space<vmem>>, vector<16xi32>,
      %parallel_loop3A_191 = vector.shape_cast %parallel_loop3A_190 : vector<16xi32> to vector<16xi32>
      %parallel_loop3A_192 = arith.constant 0 : i32
      %parallel_loop3A_193 = vector.broadcast %parallel_loop3A_192 : i32 to vector<16xi32>
      %parallel_loop3A_194 = arith.cmpi sgt, %parallel_loop3A_191, %parallel_loop3A_193 : vector<16xi32>
      %parallel_loop3A_195 = arith.select %parallel_loop3A_194, %parallel_loop3A_188, %broadcast_in_dim3A_3 : vector<16xi1>, vector<16xf32>
      %parallel_loop3A_196 = arith.maximumf %parallel_loop3A_113, %parallel_loop3A_195 : vector<16xf32>
      %parallel_loop3A_197 = arith.select %parallel_loop3A_194, %broadcast_in_dim3A_3, %parallel_loop3A_188 : vector<16xi1>, vector<16xf32>
      %parallel_loop3A_198 = arith.maximumf %parallel_loop3A_114, %parallel_loop3A_197 : vector<16xf32>
      %parallel_loop3A_199 = arith.constant 8 : i32
      %parallel_loop3A_200 = arith.muli %parallel_loop3A_106, %parallel_loop3A_199 : i32
      %parallel_loop3A_201 = arith.constant 4 : i32
      %parallel_loop3A_202 = arith.addi %parallel_loop3A_200, %parallel_loop3A_201 : i32
      %parallel_loop3A_203 = arith.constant 16 : i32
      %parallel_loop3A_204 = arith.muli %parallel_loop3A_202, %parallel_loop3A_203 : i32
      %parallel_loop3A_205 = arith.index_cast %parallel_loop3A_204 : i32 to index
      %parallel_loop3A_206 = tpu.vector_load %arg6[%parallel_loop3A_205] {strides = array<i32>} : memref<8192xf32, #tpu.memory_space<vmem>>, vector<16xf32>,
      %parallel_loop3A_207 = vector.shape_cast %parallel_loop3A_206 : vector<16xf32> to vector<16xf32>
      %parallel_loop3A_208 = arith.index_cast %parallel_loop3A_204 : i32 to index
      %parallel_loop3A_209 = tpu.vector_load %arg8[%parallel_loop3A_208] {strides = array<i32>} : memref<8192xi32, #tpu.memory_space<vmem>>, vector<16xi32>,
      %parallel_loop3A_210 = vector.shape_cast %parallel_loop3A_209 : vector<16xi32> to vector<16xi32>
      %parallel_loop3A_211 = arith.constant 0 : i32
      %parallel_loop3A_212 = vector.broadcast %parallel_loop3A_211 : i32 to vector<16xi32>
      %parallel_loop3A_213 = arith.cmpi sgt, %parallel_loop3A_210, %parallel_loop3A_212 : vector<16xi32>
      %parallel_loop3A_214 = arith.select %parallel_loop3A_213, %parallel_loop3A_207, %broadcast_in_dim3A_3 : vector<16xi1>, vector<16xf32>
      %parallel_loop3A_215 = arith.maximumf %parallel_loop3A_115, %parallel_loop3A_214 : vector<16xf32>
      %parallel_loop3A_216 = arith.select %parallel_loop3A_213, %broadcast_in_dim3A_3, %parallel_loop3A_207 : vector<16xi1>, vector<16xf32>
      %parallel_loop3A_217 = arith.maximumf %parallel_loop3A_116, %parallel_loop3A_216 : vector<16xf32>
      %parallel_loop3A_218 = arith.constant 8 : i32
      %parallel_loop3A_219 = arith.muli %parallel_loop3A_106, %parallel_loop3A_218 : i32
      %parallel_loop3A_220 = arith.constant 5 : i32
      %parallel_loop3A_221 = arith.addi %parallel_loop3A_219, %parallel_loop3A_220 : i32
      %parallel_loop3A_222 = arith.constant 16 : i32
      %parallel_loop3A_223 = arith.muli %parallel_loop3A_221, %parallel_loop3A_222 : i32
      %parallel_loop3A_224 = arith.index_cast %parallel_loop3A_223 : i32 to index
      %parallel_loop3A_225 = tpu.vector_load %arg6[%parallel_loop3A_224] {strides = array<i32>} : memref<8192xf32, #tpu.memory_space<vmem>>, vector<16xf32>,
      %parallel_loop3A_226 = vector.shape_cast %parallel_loop3A_225 : vector<16xf32> to vector<16xf32>
      %parallel_loop3A_227 = arith.index_cast %parallel_loop3A_223 : i32 to index
      %parallel_loop3A_228 = tpu.vector_load %arg8[%parallel_loop3A_227] {strides = array<i32>} : memref<8192xi32, #tpu.memory_space<vmem>>, vector<16xi32>,
      %parallel_loop3A_229 = vector.shape_cast %parallel_loop3A_228 : vector<16xi32> to vector<16xi32>
      %parallel_loop3A_230 = arith.constant 0 : i32
      %parallel_loop3A_231 = vector.broadcast %parallel_loop3A_230 : i32 to vector<16xi32>
      %parallel_loop3A_232 = arith.cmpi sgt, %parallel_loop3A_229, %parallel_loop3A_231 : vector<16xi32>
      %parallel_loop3A_233 = arith.select %parallel_loop3A_232, %parallel_loop3A_226, %broadcast_in_dim3A_3 : vector<16xi1>, vector<16xf32>
      %parallel_loop3A_234 = arith.maximumf %parallel_loop3A_117, %parallel_loop3A_233 : vector<16xf32>
      %parallel_loop3A_235 = arith.select %parallel_loop3A_232, %broadcast_in_dim3A_3, %parallel_loop3A_226 : vector<16xi1>, vector<16xf32>
      %parallel_loop3A_236 = arith.maximumf %parallel_loop3A_118, %parallel_loop3A_235 : vector<16xf32>
      %parallel_loop3A_237 = arith.constant 8 : i32
      %parallel_loop3A_238 = arith.muli %parallel_loop3A_106, %parallel_loop3A_237 : i32
      %parallel_loop3A_239 = arith.constant 6 : i32
      %parallel_loop3A_240 = arith.addi %parallel_loop3A_238, %parallel_loop3A_239 : i32
      %parallel_loop3A_241 = arith.constant 16 : i32
      %parallel_loop3A_242 = arith.muli %parallel_loop3A_240, %parallel_loop3A_241 : i32
      %parallel_loop3A_243 = arith.index_cast %parallel_loop3A_242 : i32 to index
      %parallel_loop3A_244 = tpu.vector_load %arg6[%parallel_loop3A_243] {strides = array<i32>} : memref<8192xf32, #tpu.memory_space<vmem>>, vector<16xf32>,
      %parallel_loop3A_245 = vector.shape_cast %parallel_loop3A_244 : vector<16xf32> to vector<16xf32>
      %parallel_loop3A_246 = arith.index_cast %parallel_loop3A_242 : i32 to index
      %parallel_loop3A_247 = tpu.vector_load %arg8[%parallel_loop3A_246] {strides = array<i32>} : memref<8192xi32, #tpu.memory_space<vmem>>, vector<16xi32>,
      %parallel_loop3A_248 = vector.shape_cast %parallel_loop3A_247 : vector<16xi32> to vector<16xi32>
      %parallel_loop3A_249 = arith.constant 0 : i32
      %parallel_loop3A_250 = vector.broadcast %parallel_loop3A_249 : i32 to vector<16xi32>
      %parallel_loop3A_251 = arith.cmpi sgt, %parallel_loop3A_248, %parallel_loop3A_250 : vector<16xi32>
      %parallel_loop3A_252 = arith.select %parallel_loop3A_251, %parallel_loop3A_245, %broadcast_in_dim3A_3 : vector<16xi1>, vector<16xf32>
      %parallel_loop3A_253 = arith.maximumf %parallel_loop3A_119, %parallel_loop3A_252 : vector<16xf32>
      %parallel_loop3A_254 = arith.select %parallel_loop3A_251, %broadcast_in_dim3A_3, %parallel_loop3A_245 : vector<16xi1>, vector<16xf32>
      %parallel_loop3A_255 = arith.maximumf %parallel_loop3A_120, %parallel_loop3A_254 : vector<16xf32>
      %parallel_loop3A_256 = arith.constant 8 : i32
      %parallel_loop3A_257 = arith.muli %parallel_loop3A_106, %parallel_loop3A_256 : i32
      %parallel_loop3A_258 = arith.constant 7 : i32
      %parallel_loop3A_259 = arith.addi %parallel_loop3A_257, %parallel_loop3A_258 : i32
      %parallel_loop3A_260 = arith.constant 16 : i32
      %parallel_loop3A_261 = arith.muli %parallel_loop3A_259, %parallel_loop3A_260 : i32
      %parallel_loop3A_262 = arith.index_cast %parallel_loop3A_261 : i32 to index
      %parallel_loop3A_263 = tpu.vector_load %arg6[%parallel_loop3A_262] {strides = array<i32>} : memref<8192xf32, #tpu.memory_space<vmem>>, vector<16xf32>,
      %parallel_loop3A_264 = vector.shape_cast %parallel_loop3A_263 : vector<16xf32> to vector<16xf32>
      %parallel_loop3A_265 = arith.index_cast %parallel_loop3A_261 : i32 to index
      %parallel_loop3A_266 = tpu.vector_load %arg8[%parallel_loop3A_265] {strides = array<i32>} : memref<8192xi32, #tpu.memory_space<vmem>>, vector<16xi32>,
      %parallel_loop3A_267 = vector.shape_cast %parallel_loop3A_266 : vector<16xi32> to vector<16xi32>
      %parallel_loop3A_268 = arith.constant 0 : i32
      %parallel_loop3A_269 = vector.broadcast %parallel_loop3A_268 : i32 to vector<16xi32>
      %parallel_loop3A_270 = arith.cmpi sgt, %parallel_loop3A_267, %parallel_loop3A_269 : vector<16xi32>
      %parallel_loop3A_271 = arith.select %parallel_loop3A_270, %parallel_loop3A_264, %broadcast_in_dim3A_3 : vector<16xi1>, vector<16xf32>
      %parallel_loop3A_272 = arith.maximumf %parallel_loop3A_121, %parallel_loop3A_271 : vector<16xf32>
      %parallel_loop3A_273 = arith.select %parallel_loop3A_270, %broadcast_in_dim3A_3, %parallel_loop3A_264 : vector<16xi1>, vector<16xf32>
      %parallel_loop3A_274 = arith.maximumf %parallel_loop3A_122, %parallel_loop3A_273 : vector<16xf32>
      scf.yield %parallel_loop3A_139, %parallel_loop3A_141, %parallel_loop3A_158, %parallel_loop3A_160, %parallel_loop3A_177, %parallel_loop3A_179, %parallel_loop3A_196, %parallel_loop3A_198, %parallel_loop3A_215, %parallel_loop3A_217, %parallel_loop3A_234, %parallel_loop3A_236, %parallel_loop3A_253, %parallel_loop3A_255, %parallel_loop3A_272, %parallel_loop3A_274 : vector<16xf32>, vector<16xf32>, vector<16xf32>, vector<16xf32>, vector<16xf32>, vector<16xf32>, vector<16xf32>, vector<16xf32>, vector<16xf32>, vector<16xf32>, vector<16xf32>, vector<16xf32>, vector<16xf32>, vector<16xf32>, vector<16xf32>, vector<16xf32>
    } {sc.loop_unroll_factor = 2 : i64, sc.parallel_access}
    %add3A_35 = arith.constant 24576 : i32
    %add3A_36 = arith.addi %mul3A_2, %add3A_35 : i32
    %dma_start3A_37 = tpu.memref_slice %arg2[%add3A_36] : memref<4194304xf32, #tpu.memory_space<hbm>> -> memref<8192xf32, #tpu.memory_space<hbm>>
    %dma_start3A_38 = tpu.memref_slice %arg2[%add3A_36] : memref<4194304xf32, #tpu.memory_space<hbm>> -> memref<8192xf32, #tpu.memory_space<hbm>>
    tpu.enqueue_dma source(%dma_start3A_38 : memref<8192xf32, #tpu.memory_space<hbm>>) target(%arg6 : memref<8192xf32, #tpu.memory_space<vmem>>) target_semaphore(%arg12 : memref<!tpu.dma_semaphore, #tpu.memory_space<semaphore_mem>>)
    %dma_start3A_39 = tpu.memref_slice %arg3[%add3A_36] : memref<4194304xi32, #tpu.memory_space<hbm>> -> memref<8192xi32, #tpu.memory_space<hbm>>
    %dma_start3A_40 = tpu.memref_slice %arg3[%add3A_36] : memref<4194304xi32, #tpu.memory_space<hbm>> -> memref<8192xi32, #tpu.memory_space<hbm>>
    tpu.enqueue_dma source(%dma_start3A_40 : memref<8192xi32, #tpu.memory_space<hbm>>) target(%arg8 : memref<8192xi32, #tpu.memory_space<vmem>>) target_semaphore(%arg12 : memref<!tpu.dma_semaphore, #tpu.memory_space<semaphore_mem>>)
    %dma_wait3A_41 = tpu.memref_slice %arg2[%add3A_22] : memref<4194304xf32, #tpu.memory_space<hbm>> -> memref<8192xf32, #tpu.memory_space<hbm>>
    %dma_wait3A_42 = tpu.memref_slice %arg2[%add3A_22] : memref<4194304xf32, #tpu.memory_space<hbm>> -> memref<8192xf32, #tpu.memory_space<hbm>>
    tpu.wait_dma2 semaphore(%arg11 : memref<!tpu.dma_semaphore, #tpu.memory_space<semaphore_mem>>) src(%dma_wait3A_42 : memref<8192xf32, #tpu.memory_space<hbm>>) dst(%arg5 : memref<8192xf32, #tpu.memory_space<vmem>>)
    %dma_wait3A_43 = tpu.memref_slice %arg3[%add3A_22] : memref<4194304xi32, #tpu.memory_space<hbm>> -> memref<8192xi32, #tpu.memory_space<hbm>>
    %dma_wait3A_44 = tpu.memref_slice %arg3[%add3A_22] : memref<4194304xi32, #tpu.memory_space<hbm>> -> memref<8192xi32, #tpu.memory_space<hbm>>
    tpu.wait_dma2 semaphore(%arg11 : memref<!tpu.dma_semaphore, #tpu.memory_space<semaphore_mem>>) src(%dma_wait3A_44 : memref<8192xi32, #tpu.memory_space<hbm>>) dst(%arg7 : memref<8192xi32, #tpu.memory_space<vmem>>)
    %parallel_loop3A_45 = arith.constant 0 : i32
    %parallel_loop3A_46 = arith.constant 64 : i32
    %parallel_loop3A_47 = arith.constant 1 : i32
    %parallel_loop3A_48:16 = scf.for %parallel_loop3A_106 = %parallel_loop3A_45 to %parallel_loop3A_46 step %parallel_loop3A_47 iter_args(%parallel_loop3A_107 = %parallel_loop3A_34#0, %parallel_loop3A_108 = %parallel_loop3A_34#1, %parallel_loop3A_109 = %parallel_loop3A_34#2, %parallel_loop3A_110 = %parallel_loop3A_34#3, %parallel_loop3A_111 = %parallel_loop3A_34#4, %parallel_loop3A_112 = %parallel_loop3A_34#5, %parallel_loop3A_113 = %parallel_loop3A_34#6, %parallel_loop3A_114 = %parallel_loop3A_34#7, %parallel_loop3A_115 = %parallel_loop3A_34#8, %parallel_loop3A_116 = %parallel_loop3A_34#9, %parallel_loop3A_117 = %parallel_loop3A_34#10, %parallel_loop3A_118 = %parallel_loop3A_34#11, %parallel_loop3A_119 = %parallel_loop3A_34#12, %parallel_loop3A_120 = %parallel_loop3A_34#13, %parallel_loop3A_121 = %parallel_loop3A_34#14, %parallel_loop3A_122 = %parallel_loop3A_34#15) -> (vector<16xf32>, vector<16xf32>, vector<16xf32>, vector<16xf32>, vector<16xf32>, vector<16xf32>, vector<16xf32>, vector<16xf32>, vector<16xf32>, vector<16xf32>, vector<16xf32>, vector<16xf32>, vector<16xf32>, vector<16xf32>, vector<16xf32>, vector<16xf32>)  : i32 {
      %parallel_loop3A_123 = arith.constant 8 : i32
      %parallel_loop3A_124 = arith.muli %parallel_loop3A_106, %parallel_loop3A_123 : i32
      %parallel_loop3A_125 = arith.constant 0 : i32
      %parallel_loop3A_126 = arith.addi %parallel_loop3A_124, %parallel_loop3A_125 : i32
      %parallel_loop3A_127 = arith.constant 16 : i32
      %parallel_loop3A_128 = arith.muli %parallel_loop3A_126, %parallel_loop3A_127 : i32
      %parallel_loop3A_129 = arith.index_cast %parallel_loop3A_128 : i32 to index
      %parallel_loop3A_130 = tpu.vector_load %arg5[%parallel_loop3A_129] {strides = array<i32>} : memref<8192xf32, #tpu.memory_space<vmem>>, vector<16xf32>,
      %parallel_loop3A_131 = vector.shape_cast %parallel_loop3A_130 : vector<16xf32> to vector<16xf32>
      %parallel_loop3A_132 = arith.index_cast %parallel_loop3A_128 : i32 to index
      %parallel_loop3A_133 = tpu.vector_load %arg7[%parallel_loop3A_132] {strides = array<i32>} : memref<8192xi32, #tpu.memory_space<vmem>>, vector<16xi32>,
      %parallel_loop3A_134 = vector.shape_cast %parallel_loop3A_133 : vector<16xi32> to vector<16xi32>
      %parallel_loop3A_135 = arith.constant 0 : i32
      %parallel_loop3A_136 = vector.broadcast %parallel_loop3A_135 : i32 to vector<16xi32>
      %parallel_loop3A_137 = arith.cmpi sgt, %parallel_loop3A_134, %parallel_loop3A_136 : vector<16xi32>
      %parallel_loop3A_138 = arith.select %parallel_loop3A_137, %parallel_loop3A_131, %broadcast_in_dim3A_3 : vector<16xi1>, vector<16xf32>
      %parallel_loop3A_139 = arith.maximumf %parallel_loop3A_107, %parallel_loop3A_138 : vector<16xf32>
      %parallel_loop3A_140 = arith.select %parallel_loop3A_137, %broadcast_in_dim3A_3, %parallel_loop3A_131 : vector<16xi1>, vector<16xf32>
      %parallel_loop3A_141 = arith.maximumf %parallel_loop3A_108, %parallel_loop3A_140 : vector<16xf32>
      %parallel_loop3A_142 = arith.constant 8 : i32
      %parallel_loop3A_143 = arith.muli %parallel_loop3A_106, %parallel_loop3A_142 : i32
      %parallel_loop3A_144 = arith.constant 1 : i32
      %parallel_loop3A_145 = arith.addi %parallel_loop3A_143, %parallel_loop3A_144 : i32
      %parallel_loop3A_146 = arith.constant 16 : i32
      %parallel_loop3A_147 = arith.muli %parallel_loop3A_145, %parallel_loop3A_146 : i32
      %parallel_loop3A_148 = arith.index_cast %parallel_loop3A_147 : i32 to index
      %parallel_loop3A_149 = tpu.vector_load %arg5[%parallel_loop3A_148] {strides = array<i32>} : memref<8192xf32, #tpu.memory_space<vmem>>, vector<16xf32>,
      %parallel_loop3A_150 = vector.shape_cast %parallel_loop3A_149 : vector<16xf32> to vector<16xf32>
      %parallel_loop3A_151 = arith.index_cast %parallel_loop3A_147 : i32 to index
      %parallel_loop3A_152 = tpu.vector_load %arg7[%parallel_loop3A_151] {strides = array<i32>} : memref<8192xi32, #tpu.memory_space<vmem>>, vector<16xi32>,
      %parallel_loop3A_153 = vector.shape_cast %parallel_loop3A_152 : vector<16xi32> to vector<16xi32>
      %parallel_loop3A_154 = arith.constant 0 : i32
      %parallel_loop3A_155 = vector.broadcast %parallel_loop3A_154 : i32 to vector<16xi32>
      %parallel_loop3A_156 = arith.cmpi sgt, %parallel_loop3A_153, %parallel_loop3A_155 : vector<16xi32>
      %parallel_loop3A_157 = arith.select %parallel_loop3A_156, %parallel_loop3A_150, %broadcast_in_dim3A_3 : vector<16xi1>, vector<16xf32>
      %parallel_loop3A_158 = arith.maximumf %parallel_loop3A_109, %parallel_loop3A_157 : vector<16xf32>
      %parallel_loop3A_159 = arith.select %parallel_loop3A_156, %broadcast_in_dim3A_3, %parallel_loop3A_150 : vector<16xi1>, vector<16xf32>
      %parallel_loop3A_160 = arith.maximumf %parallel_loop3A_110, %parallel_loop3A_159 : vector<16xf32>
      %parallel_loop3A_161 = arith.constant 8 : i32
      %parallel_loop3A_162 = arith.muli %parallel_loop3A_106, %parallel_loop3A_161 : i32
      %parallel_loop3A_163 = arith.constant 2 : i32
      %parallel_loop3A_164 = arith.addi %parallel_loop3A_162, %parallel_loop3A_163 : i32
      %parallel_loop3A_165 = arith.constant 16 : i32
      %parallel_loop3A_166 = arith.muli %parallel_loop3A_164, %parallel_loop3A_165 : i32
      %parallel_loop3A_167 = arith.index_cast %parallel_loop3A_166 : i32 to index
      %parallel_loop3A_168 = tpu.vector_load %arg5[%parallel_loop3A_167] {strides = array<i32>} : memref<8192xf32, #tpu.memory_space<vmem>>, vector<16xf32>,
      %parallel_loop3A_169 = vector.shape_cast %parallel_loop3A_168 : vector<16xf32> to vector<16xf32>
      %parallel_loop3A_170 = arith.index_cast %parallel_loop3A_166 : i32 to index
      %parallel_loop3A_171 = tpu.vector_load %arg7[%parallel_loop3A_170] {strides = array<i32>} : memref<8192xi32, #tpu.memory_space<vmem>>, vector<16xi32>,
      %parallel_loop3A_172 = vector.shape_cast %parallel_loop3A_171 : vector<16xi32> to vector<16xi32>
      %parallel_loop3A_173 = arith.constant 0 : i32
      %parallel_loop3A_174 = vector.broadcast %parallel_loop3A_173 : i32 to vector<16xi32>
      %parallel_loop3A_175 = arith.cmpi sgt, %parallel_loop3A_172, %parallel_loop3A_174 : vector<16xi32>
      %parallel_loop3A_176 = arith.select %parallel_loop3A_175, %parallel_loop3A_169, %broadcast_in_dim3A_3 : vector<16xi1>, vector<16xf32>
      %parallel_loop3A_177 = arith.maximumf %parallel_loop3A_111, %parallel_loop3A_176 : vector<16xf32>
      %parallel_loop3A_178 = arith.select %parallel_loop3A_175, %broadcast_in_dim3A_3, %parallel_loop3A_169 : vector<16xi1>, vector<16xf32>
      %parallel_loop3A_179 = arith.maximumf %parallel_loop3A_112, %parallel_loop3A_178 : vector<16xf32>
      %parallel_loop3A_180 = arith.constant 8 : i32
      %parallel_loop3A_181 = arith.muli %parallel_loop3A_106, %parallel_loop3A_180 : i32
      %parallel_loop3A_182 = arith.constant 3 : i32
      %parallel_loop3A_183 = arith.addi %parallel_loop3A_181, %parallel_loop3A_182 : i32
      %parallel_loop3A_184 = arith.constant 16 : i32
      %parallel_loop3A_185 = arith.muli %parallel_loop3A_183, %parallel_loop3A_184 : i32
      %parallel_loop3A_186 = arith.index_cast %parallel_loop3A_185 : i32 to index
      %parallel_loop3A_187 = tpu.vector_load %arg5[%parallel_loop3A_186] {strides = array<i32>} : memref<8192xf32, #tpu.memory_space<vmem>>, vector<16xf32>,
      %parallel_loop3A_188 = vector.shape_cast %parallel_loop3A_187 : vector<16xf32> to vector<16xf32>
      %parallel_loop3A_189 = arith.index_cast %parallel_loop3A_185 : i32 to index
      %parallel_loop3A_190 = tpu.vector_load %arg7[%parallel_loop3A_189] {strides = array<i32>} : memref<8192xi32, #tpu.memory_space<vmem>>, vector<16xi32>,
      %parallel_loop3A_191 = vector.shape_cast %parallel_loop3A_190 : vector<16xi32> to vector<16xi32>
      %parallel_loop3A_192 = arith.constant 0 : i32
      %parallel_loop3A_193 = vector.broadcast %parallel_loop3A_192 : i32 to vector<16xi32>
      %parallel_loop3A_194 = arith.cmpi sgt, %parallel_loop3A_191, %parallel_loop3A_193 : vector<16xi32>
      %parallel_loop3A_195 = arith.select %parallel_loop3A_194, %parallel_loop3A_188, %broadcast_in_dim3A_3 : vector<16xi1>, vector<16xf32>
      %parallel_loop3A_196 = arith.maximumf %parallel_loop3A_113, %parallel_loop3A_195 : vector<16xf32>
      %parallel_loop3A_197 = arith.select %parallel_loop3A_194, %broadcast_in_dim3A_3, %parallel_loop3A_188 : vector<16xi1>, vector<16xf32>
      %parallel_loop3A_198 = arith.maximumf %parallel_loop3A_114, %parallel_loop3A_197 : vector<16xf32>
      %parallel_loop3A_199 = arith.constant 8 : i32
      %parallel_loop3A_200 = arith.muli %parallel_loop3A_106, %parallel_loop3A_199 : i32
      %parallel_loop3A_201 = arith.constant 4 : i32
      %parallel_loop3A_202 = arith.addi %parallel_loop3A_200, %parallel_loop3A_201 : i32
      %parallel_loop3A_203 = arith.constant 16 : i32
      %parallel_loop3A_204 = arith.muli %parallel_loop3A_202, %parallel_loop3A_203 : i32
      %parallel_loop3A_205 = arith.index_cast %parallel_loop3A_204 : i32 to index
      %parallel_loop3A_206 = tpu.vector_load %arg5[%parallel_loop3A_205] {strides = array<i32>} : memref<8192xf32, #tpu.memory_space<vmem>>, vector<16xf32>,
      %parallel_loop3A_207 = vector.shape_cast %parallel_loop3A_206 : vector<16xf32> to vector<16xf32>
      %parallel_loop3A_208 = arith.index_cast %parallel_loop3A_204 : i32 to index
      %parallel_loop3A_209 = tpu.vector_load %arg7[%parallel_loop3A_208] {strides = array<i32>} : memref<8192xi32, #tpu.memory_space<vmem>>, vector<16xi32>,
      %parallel_loop3A_210 = vector.shape_cast %parallel_loop3A_209 : vector<16xi32> to vector<16xi32>
      %parallel_loop3A_211 = arith.constant 0 : i32
      %parallel_loop3A_212 = vector.broadcast %parallel_loop3A_211 : i32 to vector<16xi32>
      %parallel_loop3A_213 = arith.cmpi sgt, %parallel_loop3A_210, %parallel_loop3A_212 : vector<16xi32>
      %parallel_loop3A_214 = arith.select %parallel_loop3A_213, %parallel_loop3A_207, %broadcast_in_dim3A_3 : vector<16xi1>, vector<16xf32>
      %parallel_loop3A_215 = arith.maximumf %parallel_loop3A_115, %parallel_loop3A_214 : vector<16xf32>
      %parallel_loop3A_216 = arith.select %parallel_loop3A_213, %broadcast_in_dim3A_3, %parallel_loop3A_207 : vector<16xi1>, vector<16xf32>
      %parallel_loop3A_217 = arith.maximumf %parallel_loop3A_116, %parallel_loop3A_216 : vector<16xf32>
      %parallel_loop3A_218 = arith.constant 8 : i32
      %parallel_loop3A_219 = arith.muli %parallel_loop3A_106, %parallel_loop3A_218 : i32
      %parallel_loop3A_220 = arith.constant 5 : i32
      %parallel_loop3A_221 = arith.addi %parallel_loop3A_219, %parallel_loop3A_220 : i32
      %parallel_loop3A_222 = arith.constant 16 : i32
      %parallel_loop3A_223 = arith.muli %parallel_loop3A_221, %parallel_loop3A_222 : i32
      %parallel_loop3A_224 = arith.index_cast %parallel_loop3A_223 : i32 to index
      %parallel_loop3A_225 = tpu.vector_load %arg5[%parallel_loop3A_224] {strides = array<i32>} : memref<8192xf32, #tpu.memory_space<vmem>>, vector<16xf32>,
      %parallel_loop3A_226 = vector.shape_cast %parallel_loop3A_225 : vector<16xf32> to vector<16xf32>
      %parallel_loop3A_227 = arith.index_cast %parallel_loop3A_223 : i32 to index
      %parallel_loop3A_228 = tpu.vector_load %arg7[%parallel_loop3A_227] {strides = array<i32>} : memref<8192xi32, #tpu.memory_space<vmem>>, vector<16xi32>,
      %parallel_loop3A_229 = vector.shape_cast %parallel_loop3A_228 : vector<16xi32> to vector<16xi32>
      %parallel_loop3A_230 = arith.constant 0 : i32
      %parallel_loop3A_231 = vector.broadcast %parallel_loop3A_230 : i32 to vector<16xi32>
      %parallel_loop3A_232 = arith.cmpi sgt, %parallel_loop3A_229, %parallel_loop3A_231 : vector<16xi32>
      %parallel_loop3A_233 = arith.select %parallel_loop3A_232, %parallel_loop3A_226, %broadcast_in_dim3A_3 : vector<16xi1>, vector<16xf32>
      %parallel_loop3A_234 = arith.maximumf %parallel_loop3A_117, %parallel_loop3A_233 : vector<16xf32>
      %parallel_loop3A_235 = arith.select %parallel_loop3A_232, %broadcast_in_dim3A_3, %parallel_loop3A_226 : vector<16xi1>, vector<16xf32>
      %parallel_loop3A_236 = arith.maximumf %parallel_loop3A_118, %parallel_loop3A_235 : vector<16xf32>
      %parallel_loop3A_237 = arith.constant 8 : i32
      %parallel_loop3A_238 = arith.muli %parallel_loop3A_106, %parallel_loop3A_237 : i32
      %parallel_loop3A_239 = arith.constant 6 : i32
      %parallel_loop3A_240 = arith.addi %parallel_loop3A_238, %parallel_loop3A_239 : i32
      %parallel_loop3A_241 = arith.constant 16 : i32
      %parallel_loop3A_242 = arith.muli %parallel_loop3A_240, %parallel_loop3A_241 : i32
      %parallel_loop3A_243 = arith.index_cast %parallel_loop3A_242 : i32 to index
      %parallel_loop3A_244 = tpu.vector_load %arg5[%parallel_loop3A_243] {strides = array<i32>} : memref<8192xf32, #tpu.memory_space<vmem>>, vector<16xf32>,
      %parallel_loop3A_245 = vector.shape_cast %parallel_loop3A_244 : vector<16xf32> to vector<16xf32>
      %parallel_loop3A_246 = arith.index_cast %parallel_loop3A_242 : i32 to index
      %parallel_loop3A_247 = tpu.vector_load %arg7[%parallel_loop3A_246] {strides = array<i32>} : memref<8192xi32, #tpu.memory_space<vmem>>, vector<16xi32>,
      %parallel_loop3A_248 = vector.shape_cast %parallel_loop3A_247 : vector<16xi32> to vector<16xi32>
      %parallel_loop3A_249 = arith.constant 0 : i32
      %parallel_loop3A_250 = vector.broadcast %parallel_loop3A_249 : i32 to vector<16xi32>
      %parallel_loop3A_251 = arith.cmpi sgt, %parallel_loop3A_248, %parallel_loop3A_250 : vector<16xi32>
      %parallel_loop3A_252 = arith.select %parallel_loop3A_251, %parallel_loop3A_245, %broadcast_in_dim3A_3 : vector<16xi1>, vector<16xf32>
      %parallel_loop3A_253 = arith.maximumf %parallel_loop3A_119, %parallel_loop3A_252 : vector<16xf32>
      %parallel_loop3A_254 = arith.select %parallel_loop3A_251, %broadcast_in_dim3A_3, %parallel_loop3A_245 : vector<16xi1>, vector<16xf32>
      %parallel_loop3A_255 = arith.maximumf %parallel_loop3A_120, %parallel_loop3A_254 : vector<16xf32>
      %parallel_loop3A_256 = arith.constant 8 : i32
      %parallel_loop3A_257 = arith.muli %parallel_loop3A_106, %parallel_loop3A_256 : i32
      %parallel_loop3A_258 = arith.constant 7 : i32
      %parallel_loop3A_259 = arith.addi %parallel_loop3A_257, %parallel_loop3A_258 : i32
      %parallel_loop3A_260 = arith.constant 16 : i32
      %parallel_loop3A_261 = arith.muli %parallel_loop3A_259, %parallel_loop3A_260 : i32
      %parallel_loop3A_262 = arith.index_cast %parallel_loop3A_261 : i32 to index
      %parallel_loop3A_263 = tpu.vector_load %arg5[%parallel_loop3A_262] {strides = array<i32>} : memref<8192xf32, #tpu.memory_space<vmem>>, vector<16xf32>,
      %parallel_loop3A_264 = vector.shape_cast %parallel_loop3A_263 : vector<16xf32> to vector<16xf32>
      %parallel_loop3A_265 = arith.index_cast %parallel_loop3A_261 : i32 to index
      %parallel_loop3A_266 = tpu.vector_load %arg7[%parallel_loop3A_265] {strides = array<i32>} : memref<8192xi32, #tpu.memory_space<vmem>>, vector<16xi32>,
      %parallel_loop3A_267 = vector.shape_cast %parallel_loop3A_266 : vector<16xi32> to vector<16xi32>
      %parallel_loop3A_268 = arith.constant 0 : i32
      %parallel_loop3A_269 = vector.broadcast %parallel_loop3A_268 : i32 to vector<16xi32>
      %parallel_loop3A_270 = arith.cmpi sgt, %parallel_loop3A_267, %parallel_loop3A_269 : vector<16xi32>
      %parallel_loop3A_271 = arith.select %parallel_loop3A_270, %parallel_loop3A_264, %broadcast_in_dim3A_3 : vector<16xi1>, vector<16xf32>
      %parallel_loop3A_272 = arith.maximumf %parallel_loop3A_121, %parallel_loop3A_271 : vector<16xf32>
      %parallel_loop3A_273 = arith.select %parallel_loop3A_270, %broadcast_in_dim3A_3, %parallel_loop3A_264 : vector<16xi1>, vector<16xf32>
      %parallel_loop3A_274 = arith.maximumf %parallel_loop3A_122, %parallel_loop3A_273 : vector<16xf32>
      scf.yield %parallel_loop3A_139, %parallel_loop3A_141, %parallel_loop3A_158, %parallel_loop3A_160, %parallel_loop3A_177, %parallel_loop3A_179, %parallel_loop3A_196, %parallel_loop3A_198, %parallel_loop3A_215, %parallel_loop3A_217, %parallel_loop3A_234, %parallel_loop3A_236, %parallel_loop3A_253, %parallel_loop3A_255, %parallel_loop3A_272, %parallel_loop3A_274 : vector<16xf32>, vector<16xf32>, vector<16xf32>, vector<16xf32>, vector<16xf32>, vector<16xf32>, vector<16xf32>, vector<16xf32>, vector<16xf32>, vector<16xf32>, vector<16xf32>, vector<16xf32>, vector<16xf32>, vector<16xf32>, vector<16xf32>, vector<16xf32>
    } {sc.loop_unroll_factor = 2 : i64, sc.parallel_access}
    %add3A_49 = arith.constant 32768 : i32
    %add3A_50 = arith.addi %mul3A_2, %add3A_49 : i32
    %dma_start3A_51 = tpu.memref_slice %arg2[%add3A_50] : memref<4194304xf32, #tpu.memory_space<hbm>> -> memref<8192xf32, #tpu.memory_space<hbm>>
    %dma_start3A_52 = tpu.memref_slice %arg2[%add3A_50] : memref<4194304xf32, #tpu.memory_space<hbm>> -> memref<8192xf32, #tpu.memory_space<hbm>>
    tpu.enqueue_dma source(%dma_start3A_52 : memref<8192xf32, #tpu.memory_space<hbm>>) target(%arg5 : memref<8192xf32, #tpu.memory_space<vmem>>) target_semaphore(%arg11 : memref<!tpu.dma_semaphore, #tpu.memory_space<semaphore_mem>>)
    %dma_start3A_53 = tpu.memref_slice %arg3[%add3A_50] : memref<4194304xi32, #tpu.memory_space<hbm>> -> memref<8192xi32, #tpu.memory_space<hbm>>
    %dma_start3A_54 = tpu.memref_slice %arg3[%add3A_50] : memref<4194304xi32, #tpu.memory_space<hbm>> -> memref<8192xi32, #tpu.memory_space<hbm>>
    tpu.enqueue_dma source(%dma_start3A_54 : memref<8192xi32, #tpu.memory_space<hbm>>) target(%arg7 : memref<8192xi32, #tpu.memory_space<vmem>>) target_semaphore(%arg11 : memref<!tpu.dma_semaphore, #tpu.memory_space<semaphore_mem>>)
    %dma_wait3A_55 = tpu.memref_slice %arg2[%add3A_36] : memref<4194304xf32, #tpu.memory_space<hbm>> -> memref<8192xf32, #tpu.memory_space<hbm>>
    %dma_wait3A_56 = tpu.memref_slice %arg2[%add3A_36] : memref<4194304xf32, #tpu.memory_space<hbm>> -> memref<8192xf32, #tpu.memory_space<hbm>>
    tpu.wait_dma2 semaphore(%arg12 : memref<!tpu.dma_semaphore, #tpu.memory_space<semaphore_mem>>) src(%dma_wait3A_56 : memref<8192xf32, #tpu.memory_space<hbm>>) dst(%arg6 : memref<8192xf32, #tpu.memory_space<vmem>>)
    %dma_wait3A_57 = tpu.memref_slice %arg3[%add3A_36] : memref<4194304xi32, #tpu.memory_space<hbm>> -> memref<8192xi32, #tpu.memory_space<hbm>>
    %dma_wait3A_58 = tpu.memref_slice %arg3[%add3A_36] : memref<4194304xi32, #tpu.memory_space<hbm>> -> memref<8192xi32, #tpu.memory_space<hbm>>
    tpu.wait_dma2 semaphore(%arg12 : memref<!tpu.dma_semaphore, #tpu.memory_space<semaphore_mem>>) src(%dma_wait3A_58 : memref<8192xi32, #tpu.memory_space<hbm>>) dst(%arg8 : memref<8192xi32, #tpu.memory_space<vmem>>)
    %parallel_loop3A_59 = arith.constant 0 : i32
    %parallel_loop3A_60 = arith.constant 64 : i32
    %parallel_loop3A_61 = arith.constant 1 : i32
    %parallel_loop3A_62:16 = scf.for %parallel_loop3A_106 = %parallel_loop3A_59 to %parallel_loop3A_60 step %parallel_loop3A_61 iter_args(%parallel_loop3A_107 = %parallel_loop3A_48#0, %parallel_loop3A_108 = %parallel_loop3A_48#1, %parallel_loop3A_109 = %parallel_loop3A_48#2, %parallel_loop3A_110 = %parallel_loop3A_48#3, %parallel_loop3A_111 = %parallel_loop3A_48#4, %parallel_loop3A_112 = %parallel_loop3A_48#5, %parallel_loop3A_113 = %parallel_loop3A_48#6, %parallel_loop3A_114 = %parallel_loop3A_48#7, %parallel_loop3A_115 = %parallel_loop3A_48#8, %parallel_loop3A_116 = %parallel_loop3A_48#9, %parallel_loop3A_117 = %parallel_loop3A_48#10, %parallel_loop3A_118 = %parallel_loop3A_48#11, %parallel_loop3A_119 = %parallel_loop3A_48#12, %parallel_loop3A_120 = %parallel_loop3A_48#13, %parallel_loop3A_121 = %parallel_loop3A_48#14, %parallel_loop3A_122 = %parallel_loop3A_48#15) -> (vector<16xf32>, vector<16xf32>, vector<16xf32>, vector<16xf32>, vector<16xf32>, vector<16xf32>, vector<16xf32>, vector<16xf32>, vector<16xf32>, vector<16xf32>, vector<16xf32>, vector<16xf32>, vector<16xf32>, vector<16xf32>, vector<16xf32>, vector<16xf32>)  : i32 {
      %parallel_loop3A_123 = arith.constant 8 : i32
      %parallel_loop3A_124 = arith.muli %parallel_loop3A_106, %parallel_loop3A_123 : i32
      %parallel_loop3A_125 = arith.constant 0 : i32
      %parallel_loop3A_126 = arith.addi %parallel_loop3A_124, %parallel_loop3A_125 : i32
      %parallel_loop3A_127 = arith.constant 16 : i32
      %parallel_loop3A_128 = arith.muli %parallel_loop3A_126, %parallel_loop3A_127 : i32
      %parallel_loop3A_129 = arith.index_cast %parallel_loop3A_128 : i32 to index
      %parallel_loop3A_130 = tpu.vector_load %arg6[%parallel_loop3A_129] {strides = array<i32>} : memref<8192xf32, #tpu.memory_space<vmem>>, vector<16xf32>,
      %parallel_loop3A_131 = vector.shape_cast %parallel_loop3A_130 : vector<16xf32> to vector<16xf32>
      %parallel_loop3A_132 = arith.index_cast %parallel_loop3A_128 : i32 to index
      %parallel_loop3A_133 = tpu.vector_load %arg8[%parallel_loop3A_132] {strides = array<i32>} : memref<8192xi32, #tpu.memory_space<vmem>>, vector<16xi32>,
      %parallel_loop3A_134 = vector.shape_cast %parallel_loop3A_133 : vector<16xi32> to vector<16xi32>
      %parallel_loop3A_135 = arith.constant 0 : i32
      %parallel_loop3A_136 = vector.broadcast %parallel_loop3A_135 : i32 to vector<16xi32>
      %parallel_loop3A_137 = arith.cmpi sgt, %parallel_loop3A_134, %parallel_loop3A_136 : vector<16xi32>
      %parallel_loop3A_138 = arith.select %parallel_loop3A_137, %parallel_loop3A_131, %broadcast_in_dim3A_3 : vector<16xi1>, vector<16xf32>
      %parallel_loop3A_139 = arith.maximumf %parallel_loop3A_107, %parallel_loop3A_138 : vector<16xf32>
      %parallel_loop3A_140 = arith.select %parallel_loop3A_137, %broadcast_in_dim3A_3, %parallel_loop3A_131 : vector<16xi1>, vector<16xf32>
      %parallel_loop3A_141 = arith.maximumf %parallel_loop3A_108, %parallel_loop3A_140 : vector<16xf32>
      %parallel_loop3A_142 = arith.constant 8 : i32
      %parallel_loop3A_143 = arith.muli %parallel_loop3A_106, %parallel_loop3A_142 : i32
      %parallel_loop3A_144 = arith.constant 1 : i32
      %parallel_loop3A_145 = arith.addi %parallel_loop3A_143, %parallel_loop3A_144 : i32
      %parallel_loop3A_146 = arith.constant 16 : i32
      %parallel_loop3A_147 = arith.muli %parallel_loop3A_145, %parallel_loop3A_146 : i32
      %parallel_loop3A_148 = arith.index_cast %parallel_loop3A_147 : i32 to index
      %parallel_loop3A_149 = tpu.vector_load %arg6[%parallel_loop3A_148] {strides = array<i32>} : memref<8192xf32, #tpu.memory_space<vmem>>, vector<16xf32>,
      %parallel_loop3A_150 = vector.shape_cast %parallel_loop3A_149 : vector<16xf32> to vector<16xf32>
      %parallel_loop3A_151 = arith.index_cast %parallel_loop3A_147 : i32 to index
      %parallel_loop3A_152 = tpu.vector_load %arg8[%parallel_loop3A_151] {strides = array<i32>} : memref<8192xi32, #tpu.memory_space<vmem>>, vector<16xi32>,
      %parallel_loop3A_153 = vector.shape_cast %parallel_loop3A_152 : vector<16xi32> to vector<16xi32>
      %parallel_loop3A_154 = arith.constant 0 : i32
      %parallel_loop3A_155 = vector.broadcast %parallel_loop3A_154 : i32 to vector<16xi32>
      %parallel_loop3A_156 = arith.cmpi sgt, %parallel_loop3A_153, %parallel_loop3A_155 : vector<16xi32>
      %parallel_loop3A_157 = arith.select %parallel_loop3A_156, %parallel_loop3A_150, %broadcast_in_dim3A_3 : vector<16xi1>, vector<16xf32>
      %parallel_loop3A_158 = arith.maximumf %parallel_loop3A_109, %parallel_loop3A_157 : vector<16xf32>
      %parallel_loop3A_159 = arith.select %parallel_loop3A_156, %broadcast_in_dim3A_3, %parallel_loop3A_150 : vector<16xi1>, vector<16xf32>
      %parallel_loop3A_160 = arith.maximumf %parallel_loop3A_110, %parallel_loop3A_159 : vector<16xf32>
      %parallel_loop3A_161 = arith.constant 8 : i32
      %parallel_loop3A_162 = arith.muli %parallel_loop3A_106, %parallel_loop3A_161 : i32
      %parallel_loop3A_163 = arith.constant 2 : i32
      %parallel_loop3A_164 = arith.addi %parallel_loop3A_162, %parallel_loop3A_163 : i32
      %parallel_loop3A_165 = arith.constant 16 : i32
      %parallel_loop3A_166 = arith.muli %parallel_loop3A_164, %parallel_loop3A_165 : i32
      %parallel_loop3A_167 = arith.index_cast %parallel_loop3A_166 : i32 to index
      %parallel_loop3A_168 = tpu.vector_load %arg6[%parallel_loop3A_167] {strides = array<i32>} : memref<8192xf32, #tpu.memory_space<vmem>>, vector<16xf32>,
      %parallel_loop3A_169 = vector.shape_cast %parallel_loop3A_168 : vector<16xf32> to vector<16xf32>
      %parallel_loop3A_170 = arith.index_cast %parallel_loop3A_166 : i32 to index
      %parallel_loop3A_171 = tpu.vector_load %arg8[%parallel_loop3A_170] {strides = array<i32>} : memref<8192xi32, #tpu.memory_space<vmem>>, vector<16xi32>,
      %parallel_loop3A_172 = vector.shape_cast %parallel_loop3A_171 : vector<16xi32> to vector<16xi32>
      %parallel_loop3A_173 = arith.constant 0 : i32
      %parallel_loop3A_174 = vector.broadcast %parallel_loop3A_173 : i32 to vector<16xi32>
      %parallel_loop3A_175 = arith.cmpi sgt, %parallel_loop3A_172, %parallel_loop3A_174 : vector<16xi32>
      %parallel_loop3A_176 = arith.select %parallel_loop3A_175, %parallel_loop3A_169, %broadcast_in_dim3A_3 : vector<16xi1>, vector<16xf32>
      %parallel_loop3A_177 = arith.maximumf %parallel_loop3A_111, %parallel_loop3A_176 : vector<16xf32>
      %parallel_loop3A_178 = arith.select %parallel_loop3A_175, %broadcast_in_dim3A_3, %parallel_loop3A_169 : vector<16xi1>, vector<16xf32>
      %parallel_loop3A_179 = arith.maximumf %parallel_loop3A_112, %parallel_loop3A_178 : vector<16xf32>
      %parallel_loop3A_180 = arith.constant 8 : i32
      %parallel_loop3A_181 = arith.muli %parallel_loop3A_106, %parallel_loop3A_180 : i32
      %parallel_loop3A_182 = arith.constant 3 : i32
      %parallel_loop3A_183 = arith.addi %parallel_loop3A_181, %parallel_loop3A_182 : i32
      %parallel_loop3A_184 = arith.constant 16 : i32
      %parallel_loop3A_185 = arith.muli %parallel_loop3A_183, %parallel_loop3A_184 : i32
      %parallel_loop3A_186 = arith.index_cast %parallel_loop3A_185 : i32 to index
      %parallel_loop3A_187 = tpu.vector_load %arg6[%parallel_loop3A_186] {strides = array<i32>} : memref<8192xf32, #tpu.memory_space<vmem>>, vector<16xf32>,
      %parallel_loop3A_188 = vector.shape_cast %parallel_loop3A_187 : vector<16xf32> to vector<16xf32>
      %parallel_loop3A_189 = arith.index_cast %parallel_loop3A_185 : i32 to index
      %parallel_loop3A_190 = tpu.vector_load %arg8[%parallel_loop3A_189] {strides = array<i32>} : memref<8192xi32, #tpu.memory_space<vmem>>, vector<16xi32>,
      %parallel_loop3A_191 = vector.shape_cast %parallel_loop3A_190 : vector<16xi32> to vector<16xi32>
      %parallel_loop3A_192 = arith.constant 0 : i32
      %parallel_loop3A_193 = vector.broadcast %parallel_loop3A_192 : i32 to vector<16xi32>
      %parallel_loop3A_194 = arith.cmpi sgt, %parallel_loop3A_191, %parallel_loop3A_193 : vector<16xi32>
      %parallel_loop3A_195 = arith.select %parallel_loop3A_194, %parallel_loop3A_188, %broadcast_in_dim3A_3 : vector<16xi1>, vector<16xf32>
      %parallel_loop3A_196 = arith.maximumf %parallel_loop3A_113, %parallel_loop3A_195 : vector<16xf32>
      %parallel_loop3A_197 = arith.select %parallel_loop3A_194, %broadcast_in_dim3A_3, %parallel_loop3A_188 : vector<16xi1>, vector<16xf32>
      %parallel_loop3A_198 = arith.maximumf %parallel_loop3A_114, %parallel_loop3A_197 : vector<16xf32>
      %parallel_loop3A_199 = arith.constant 8 : i32
      %parallel_loop3A_200 = arith.muli %parallel_loop3A_106, %parallel_loop3A_199 : i32
      %parallel_loop3A_201 = arith.constant 4 : i32
      %parallel_loop3A_202 = arith.addi %parallel_loop3A_200, %parallel_loop3A_201 : i32
      %parallel_loop3A_203 = arith.constant 16 : i32
      %parallel_loop3A_204 = arith.muli %parallel_loop3A_202, %parallel_loop3A_203 : i32
      %parallel_loop3A_205 = arith.index_cast %parallel_loop3A_204 : i32 to index
      %parallel_loop3A_206 = tpu.vector_load %arg6[%parallel_loop3A_205] {strides = array<i32>} : memref<8192xf32, #tpu.memory_space<vmem>>, vector<16xf32>,
      %parallel_loop3A_207 = vector.shape_cast %parallel_loop3A_206 : vector<16xf32> to vector<16xf32>
      %parallel_loop3A_208 = arith.index_cast %parallel_loop3A_204 : i32 to index
      %parallel_loop3A_209 = tpu.vector_load %arg8[%parallel_loop3A_208] {strides = array<i32>} : memref<8192xi32, #tpu.memory_space<vmem>>, vector<16xi32>,
      %parallel_loop3A_210 = vector.shape_cast %parallel_loop3A_209 : vector<16xi32> to vector<16xi32>
      %parallel_loop3A_211 = arith.constant 0 : i32
      %parallel_loop3A_212 = vector.broadcast %parallel_loop3A_211 : i32 to vector<16xi32>
      %parallel_loop3A_213 = arith.cmpi sgt, %parallel_loop3A_210, %parallel_loop3A_212 : vector<16xi32>
      %parallel_loop3A_214 = arith.select %parallel_loop3A_213, %parallel_loop3A_207, %broadcast_in_dim3A_3 : vector<16xi1>, vector<16xf32>
      %parallel_loop3A_215 = arith.maximumf %parallel_loop3A_115, %parallel_loop3A_214 : vector<16xf32>
      %parallel_loop3A_216 = arith.select %parallel_loop3A_213, %broadcast_in_dim3A_3, %parallel_loop3A_207 : vector<16xi1>, vector<16xf32>
      %parallel_loop3A_217 = arith.maximumf %parallel_loop3A_116, %parallel_loop3A_216 : vector<16xf32>
      %parallel_loop3A_218 = arith.constant 8 : i32
      %parallel_loop3A_219 = arith.muli %parallel_loop3A_106, %parallel_loop3A_218 : i32
      %parallel_loop3A_220 = arith.constant 5 : i32
      %parallel_loop3A_221 = arith.addi %parallel_loop3A_219, %parallel_loop3A_220 : i32
      %parallel_loop3A_222 = arith.constant 16 : i32
      %parallel_loop3A_223 = arith.muli %parallel_loop3A_221, %parallel_loop3A_222 : i32
      %parallel_loop3A_224 = arith.index_cast %parallel_loop3A_223 : i32 to index
      %parallel_loop3A_225 = tpu.vector_load %arg6[%parallel_loop3A_224] {strides = array<i32>} : memref<8192xf32, #tpu.memory_space<vmem>>, vector<16xf32>,
      %parallel_loop3A_226 = vector.shape_cast %parallel_loop3A_225 : vector<16xf32> to vector<16xf32>
      %parallel_loop3A_227 = arith.index_cast %parallel_loop3A_223 : i32 to index
      %parallel_loop3A_228 = tpu.vector_load %arg8[%parallel_loop3A_227] {strides = array<i32>} : memref<8192xi32, #tpu.memory_space<vmem>>, vector<16xi32>,
      %parallel_loop3A_229 = vector.shape_cast %parallel_loop3A_228 : vector<16xi32> to vector<16xi32>
      %parallel_loop3A_230 = arith.constant 0 : i32
      %parallel_loop3A_231 = vector.broadcast %parallel_loop3A_230 : i32 to vector<16xi32>
      %parallel_loop3A_232 = arith.cmpi sgt, %parallel_loop3A_229, %parallel_loop3A_231 : vector<16xi32>
      %parallel_loop3A_233 = arith.select %parallel_loop3A_232, %parallel_loop3A_226, %broadcast_in_dim3A_3 : vector<16xi1>, vector<16xf32>
      %parallel_loop3A_234 = arith.maximumf %parallel_loop3A_117, %parallel_loop3A_233 : vector<16xf32>
      %parallel_loop3A_235 = arith.select %parallel_loop3A_232, %broadcast_in_dim3A_3, %parallel_loop3A_226 : vector<16xi1>, vector<16xf32>
      %parallel_loop3A_236 = arith.maximumf %parallel_loop3A_118, %parallel_loop3A_235 : vector<16xf32>
      %parallel_loop3A_237 = arith.constant 8 : i32
      %parallel_loop3A_238 = arith.muli %parallel_loop3A_106, %parallel_loop3A_237 : i32
      %parallel_loop3A_239 = arith.constant 6 : i32
      %parallel_loop3A_240 = arith.addi %parallel_loop3A_238, %parallel_loop3A_239 : i32
      %parallel_loop3A_241 = arith.constant 16 : i32
      %parallel_loop3A_242 = arith.muli %parallel_loop3A_240, %parallel_loop3A_241 : i32
      %parallel_loop3A_243 = arith.index_cast %parallel_loop3A_242 : i32 to index
      %parallel_loop3A_244 = tpu.vector_load %arg6[%parallel_loop3A_243] {strides = array<i32>} : memref<8192xf32, #tpu.memory_space<vmem>>, vector<16xf32>,
      %parallel_loop3A_245 = vector.shape_cast %parallel_loop3A_244 : vector<16xf32> to vector<16xf32>
      %parallel_loop3A_246 = arith.index_cast %parallel_loop3A_242 : i32 to index
      %parallel_loop3A_247 = tpu.vector_load %arg8[%parallel_loop3A_246] {strides = array<i32>} : memref<8192xi32, #tpu.memory_space<vmem>>, vector<16xi32>,
      %parallel_loop3A_248 = vector.shape_cast %parallel_loop3A_247 : vector<16xi32> to vector<16xi32>
      %parallel_loop3A_249 = arith.constant 0 : i32
      %parallel_loop3A_250 = vector.broadcast %parallel_loop3A_249 : i32 to vector<16xi32>
      %parallel_loop3A_251 = arith.cmpi sgt, %parallel_loop3A_248, %parallel_loop3A_250 : vector<16xi32>
      %parallel_loop3A_252 = arith.select %parallel_loop3A_251, %parallel_loop3A_245, %broadcast_in_dim3A_3 : vector<16xi1>, vector<16xf32>
      %parallel_loop3A_253 = arith.maximumf %parallel_loop3A_119, %parallel_loop3A_252 : vector<16xf32>
      %parallel_loop3A_254 = arith.select %parallel_loop3A_251, %broadcast_in_dim3A_3, %parallel_loop3A_245 : vector<16xi1>, vector<16xf32>
      %parallel_loop3A_255 = arith.maximumf %parallel_loop3A_120, %parallel_loop3A_254 : vector<16xf32>
      %parallel_loop3A_256 = arith.constant 8 : i32
      %parallel_loop3A_257 = arith.muli %parallel_loop3A_106, %parallel_loop3A_256 : i32
      %parallel_loop3A_258 = arith.constant 7 : i32
      %parallel_loop3A_259 = arith.addi %parallel_loop3A_257, %parallel_loop3A_258 : i32
      %parallel_loop3A_260 = arith.constant 16 : i32
      %parallel_loop3A_261 = arith.muli %parallel_loop3A_259, %parallel_loop3A_260 : i32
      %parallel_loop3A_262 = arith.index_cast %parallel_loop3A_261 : i32 to index
      %parallel_loop3A_263 = tpu.vector_load %arg6[%parallel_loop3A_262] {strides = array<i32>} : memref<8192xf32, #tpu.memory_space<vmem>>, vector<16xf32>,
      %parallel_loop3A_264 = vector.shape_cast %parallel_loop3A_263 : vector<16xf32> to vector<16xf32>
      %parallel_loop3A_265 = arith.index_cast %parallel_loop3A_261 : i32 to index
      %parallel_loop3A_266 = tpu.vector_load %arg8[%parallel_loop3A_265] {strides = array<i32>} : memref<8192xi32, #tpu.memory_space<vmem>>, vector<16xi32>,
      %parallel_loop3A_267 = vector.shape_cast %parallel_loop3A_266 : vector<16xi32> to vector<16xi32>
      %parallel_loop3A_268 = arith.constant 0 : i32
      %parallel_loop3A_269 = vector.broadcast %parallel_loop3A_268 : i32 to vector<16xi32>
      %parallel_loop3A_270 = arith.cmpi sgt, %parallel_loop3A_267, %parallel_loop3A_269 : vector<16xi32>
      %parallel_loop3A_271 = arith.select %parallel_loop3A_270, %parallel_loop3A_264, %broadcast_in_dim3A_3 : vector<16xi1>, vector<16xf32>
      %parallel_loop3A_272 = arith.maximumf %parallel_loop3A_121, %parallel_loop3A_271 : vector<16xf32>
      %parallel_loop3A_273 = arith.select %parallel_loop3A_270, %broadcast_in_dim3A_3, %parallel_loop3A_264 : vector<16xi1>, vector<16xf32>
      %parallel_loop3A_274 = arith.maximumf %parallel_loop3A_122, %parallel_loop3A_273 : vector<16xf32>
      scf.yield %parallel_loop3A_139, %parallel_loop3A_141, %parallel_loop3A_158, %parallel_loop3A_160, %parallel_loop3A_177, %parallel_loop3A_179, %parallel_loop3A_196, %parallel_loop3A_198, %parallel_loop3A_215, %parallel_loop3A_217, %parallel_loop3A_234, %parallel_loop3A_236, %parallel_loop3A_253, %parallel_loop3A_255, %parallel_loop3A_272, %parallel_loop3A_274 : vector<16xf32>, vector<16xf32>, vector<16xf32>, vector<16xf32>, vector<16xf32>, vector<16xf32>, vector<16xf32>, vector<16xf32>, vector<16xf32>, vector<16xf32>, vector<16xf32>, vector<16xf32>, vector<16xf32>, vector<16xf32>, vector<16xf32>, vector<16xf32>
    } {sc.loop_unroll_factor = 2 : i64, sc.parallel_access}
    %add3A_63 = arith.constant 40960 : i32
    %add3A_64 = arith.addi %mul3A_2, %add3A_63 : i32
    %dma_start3A_65 = tpu.memref_slice %arg2[%add3A_64] : memref<4194304xf32, #tpu.memory_space<hbm>> -> memref<8192xf32, #tpu.memory_space<hbm>>
    %dma_start3A_66 = tpu.memref_slice %arg2[%add3A_64] : memref<4194304xf32, #tpu.memory_space<hbm>> -> memref<8192xf32, #tpu.memory_space<hbm>>
    tpu.enqueue_dma source(%dma_start3A_66 : memref<8192xf32, #tpu.memory_space<hbm>>) target(%arg6 : memref<8192xf32, #tpu.memory_space<vmem>>) target_semaphore(%arg12 : memref<!tpu.dma_semaphore, #tpu.memory_space<semaphore_mem>>)
    %dma_start3A_67 = tpu.memref_slice %arg3[%add3A_64] : memref<4194304xi32, #tpu.memory_space<hbm>> -> memref<8192xi32, #tpu.memory_space<hbm>>
    %dma_start3A_68 = tpu.memref_slice %arg3[%add3A_64] : memref<4194304xi32, #tpu.memory_space<hbm>> -> memref<8192xi32, #tpu.memory_space<hbm>>
    tpu.enqueue_dma source(%dma_start3A_68 : memref<8192xi32, #tpu.memory_space<hbm>>) target(%arg8 : memref<8192xi32, #tpu.memory_space<vmem>>) target_semaphore(%arg12 : memref<!tpu.dma_semaphore, #tpu.memory_space<semaphore_mem>>)
    %dma_wait3A_69 = tpu.memref_slice %arg2[%add3A_50] : memref<4194304xf32, #tpu.memory_space<hbm>> -> memref<8192xf32, #tpu.memory_space<hbm>>
    %dma_wait3A_70 = tpu.memref_slice %arg2[%add3A_50] : memref<4194304xf32, #tpu.memory_space<hbm>> -> memref<8192xf32, #tpu.memory_space<hbm>>
    tpu.wait_dma2 semaphore(%arg11 : memref<!tpu.dma_semaphore, #tpu.memory_space<semaphore_mem>>) src(%dma_wait3A_70 : memref<8192xf32, #tpu.memory_space<hbm>>) dst(%arg5 : memref<8192xf32, #tpu.memory_space<vmem>>)
    %dma_wait3A_71 = tpu.memref_slice %arg3[%add3A_50] : memref<4194304xi32, #tpu.memory_space<hbm>> -> memref<8192xi32, #tpu.memory_space<hbm>>
    %dma_wait3A_72 = tpu.memref_slice %arg3[%add3A_50] : memref<4194304xi32, #tpu.memory_space<hbm>> -> memref<8192xi32, #tpu.memory_space<hbm>>
    tpu.wait_dma2 semaphore(%arg11 : memref<!tpu.dma_semaphore, #tpu.memory_space<semaphore_mem>>) src(%dma_wait3A_72 : memref<8192xi32, #tpu.memory_space<hbm>>) dst(%arg7 : memref<8192xi32, #tpu.memory_space<vmem>>)
    %parallel_loop3A_73 = arith.constant 0 : i32
    %parallel_loop3A_74 = arith.constant 64 : i32
    %parallel_loop3A_75 = arith.constant 1 : i32
    %parallel_loop3A_76:16 = scf.for %parallel_loop3A_106 = %parallel_loop3A_73 to %parallel_loop3A_74 step %parallel_loop3A_75 iter_args(%parallel_loop3A_107 = %parallel_loop3A_62#0, %parallel_loop3A_108 = %parallel_loop3A_62#1, %parallel_loop3A_109 = %parallel_loop3A_62#2, %parallel_loop3A_110 = %parallel_loop3A_62#3, %parallel_loop3A_111 = %parallel_loop3A_62#4, %parallel_loop3A_112 = %parallel_loop3A_62#5, %parallel_loop3A_113 = %parallel_loop3A_62#6, %parallel_loop3A_114 = %parallel_loop3A_62#7, %parallel_loop3A_115 = %parallel_loop3A_62#8, %parallel_loop3A_116 = %parallel_loop3A_62#9, %parallel_loop3A_117 = %parallel_loop3A_62#10, %parallel_loop3A_118 = %parallel_loop3A_62#11, %parallel_loop3A_119 = %parallel_loop3A_62#12, %parallel_loop3A_120 = %parallel_loop3A_62#13, %parallel_loop3A_121 = %parallel_loop3A_62#14, %parallel_loop3A_122 = %parallel_loop3A_62#15) -> (vector<16xf32>, vector<16xf32>, vector<16xf32>, vector<16xf32>, vector<16xf32>, vector<16xf32>, vector<16xf32>, vector<16xf32>, vector<16xf32>, vector<16xf32>, vector<16xf32>, vector<16xf32>, vector<16xf32>, vector<16xf32>, vector<16xf32>, vector<16xf32>)  : i32 {
      %parallel_loop3A_123 = arith.constant 8 : i32
      %parallel_loop3A_124 = arith.muli %parallel_loop3A_106, %parallel_loop3A_123 : i32
      %parallel_loop3A_125 = arith.constant 0 : i32
      %parallel_loop3A_126 = arith.addi %parallel_loop3A_124, %parallel_loop3A_125 : i32
      %parallel_loop3A_127 = arith.constant 16 : i32
      %parallel_loop3A_128 = arith.muli %parallel_loop3A_126, %parallel_loop3A_127 : i32
      %parallel_loop3A_129 = arith.index_cast %parallel_loop3A_128 : i32 to index
      %parallel_loop3A_130 = tpu.vector_load %arg5[%parallel_loop3A_129] {strides = array<i32>} : memref<8192xf32, #tpu.memory_space<vmem>>, vector<16xf32>,
      %parallel_loop3A_131 = vector.shape_cast %parallel_loop3A_130 : vector<16xf32> to vector<16xf32>
      %parallel_loop3A_132 = arith.index_cast %parallel_loop3A_128 : i32 to index
      %parallel_loop3A_133 = tpu.vector_load %arg7[%parallel_loop3A_132] {strides = array<i32>} : memref<8192xi32, #tpu.memory_space<vmem>>, vector<16xi32>,
      %parallel_loop3A_134 = vector.shape_cast %parallel_loop3A_133 : vector<16xi32> to vector<16xi32>
      %parallel_loop3A_135 = arith.constant 0 : i32
      %parallel_loop3A_136 = vector.broadcast %parallel_loop3A_135 : i32 to vector<16xi32>
      %parallel_loop3A_137 = arith.cmpi sgt, %parallel_loop3A_134, %parallel_loop3A_136 : vector<16xi32>
      %parallel_loop3A_138 = arith.select %parallel_loop3A_137, %parallel_loop3A_131, %broadcast_in_dim3A_3 : vector<16xi1>, vector<16xf32>
      %parallel_loop3A_139 = arith.maximumf %parallel_loop3A_107, %parallel_loop3A_138 : vector<16xf32>
      %parallel_loop3A_140 = arith.select %parallel_loop3A_137, %broadcast_in_dim3A_3, %parallel_loop3A_131 : vector<16xi1>, vector<16xf32>
      %parallel_loop3A_141 = arith.maximumf %parallel_loop3A_108, %parallel_loop3A_140 : vector<16xf32>
      %parallel_loop3A_142 = arith.constant 8 : i32
      %parallel_loop3A_143 = arith.muli %parallel_loop3A_106, %parallel_loop3A_142 : i32
      %parallel_loop3A_144 = arith.constant 1 : i32
      %parallel_loop3A_145 = arith.addi %parallel_loop3A_143, %parallel_loop3A_144 : i32
      %parallel_loop3A_146 = arith.constant 16 : i32
      %parallel_loop3A_147 = arith.muli %parallel_loop3A_145, %parallel_loop3A_146 : i32
      %parallel_loop3A_148 = arith.index_cast %parallel_loop3A_147 : i32 to index
      %parallel_loop3A_149 = tpu.vector_load %arg5[%parallel_loop3A_148] {strides = array<i32>} : memref<8192xf32, #tpu.memory_space<vmem>>, vector<16xf32>,
      %parallel_loop3A_150 = vector.shape_cast %parallel_loop3A_149 : vector<16xf32> to vector<16xf32>
      %parallel_loop3A_151 = arith.index_cast %parallel_loop3A_147 : i32 to index
      %parallel_loop3A_152 = tpu.vector_load %arg7[%parallel_loop3A_151] {strides = array<i32>} : memref<8192xi32, #tpu.memory_space<vmem>>, vector<16xi32>,
      %parallel_loop3A_153 = vector.shape_cast %parallel_loop3A_152 : vector<16xi32> to vector<16xi32>
      %parallel_loop3A_154 = arith.constant 0 : i32
      %parallel_loop3A_155 = vector.broadcast %parallel_loop3A_154 : i32 to vector<16xi32>
      %parallel_loop3A_156 = arith.cmpi sgt, %parallel_loop3A_153, %parallel_loop3A_155 : vector<16xi32>
      %parallel_loop3A_157 = arith.select %parallel_loop3A_156, %parallel_loop3A_150, %broadcast_in_dim3A_3 : vector<16xi1>, vector<16xf32>
      %parallel_loop3A_158 = arith.maximumf %parallel_loop3A_109, %parallel_loop3A_157 : vector<16xf32>
      %parallel_loop3A_159 = arith.select %parallel_loop3A_156, %broadcast_in_dim3A_3, %parallel_loop3A_150 : vector<16xi1>, vector<16xf32>
      %parallel_loop3A_160 = arith.maximumf %parallel_loop3A_110, %parallel_loop3A_159 : vector<16xf32>
      %parallel_loop3A_161 = arith.constant 8 : i32
      %parallel_loop3A_162 = arith.muli %parallel_loop3A_106, %parallel_loop3A_161 : i32
      %parallel_loop3A_163 = arith.constant 2 : i32
      %parallel_loop3A_164 = arith.addi %parallel_loop3A_162, %parallel_loop3A_163 : i32
      %parallel_loop3A_165 = arith.constant 16 : i32
      %parallel_loop3A_166 = arith.muli %parallel_loop3A_164, %parallel_loop3A_165 : i32
      %parallel_loop3A_167 = arith.index_cast %parallel_loop3A_166 : i32 to index
      %parallel_loop3A_168 = tpu.vector_load %arg5[%parallel_loop3A_167] {strides = array<i32>} : memref<8192xf32, #tpu.memory_space<vmem>>, vector<16xf32>,
      %parallel_loop3A_169 = vector.shape_cast %parallel_loop3A_168 : vector<16xf32> to vector<16xf32>
      %parallel_loop3A_170 = arith.index_cast %parallel_loop3A_166 : i32 to index
      %parallel_loop3A_171 = tpu.vector_load %arg7[%parallel_loop3A_170] {strides = array<i32>} : memref<8192xi32, #tpu.memory_space<vmem>>, vector<16xi32>,
      %parallel_loop3A_172 = vector.shape_cast %parallel_loop3A_171 : vector<16xi32> to vector<16xi32>
      %parallel_loop3A_173 = arith.constant 0 : i32
      %parallel_loop3A_174 = vector.broadcast %parallel_loop3A_173 : i32 to vector<16xi32>
      %parallel_loop3A_175 = arith.cmpi sgt, %parallel_loop3A_172, %parallel_loop3A_174 : vector<16xi32>
      %parallel_loop3A_176 = arith.select %parallel_loop3A_175, %parallel_loop3A_169, %broadcast_in_dim3A_3 : vector<16xi1>, vector<16xf32>
      %parallel_loop3A_177 = arith.maximumf %parallel_loop3A_111, %parallel_loop3A_176 : vector<16xf32>
      %parallel_loop3A_178 = arith.select %parallel_loop3A_175, %broadcast_in_dim3A_3, %parallel_loop3A_169 : vector<16xi1>, vector<16xf32>
      %parallel_loop3A_179 = arith.maximumf %parallel_loop3A_112, %parallel_loop3A_178 : vector<16xf32>
      %parallel_loop3A_180 = arith.constant 8 : i32
      %parallel_loop3A_181 = arith.muli %parallel_loop3A_106, %parallel_loop3A_180 : i32
      %parallel_loop3A_182 = arith.constant 3 : i32
      %parallel_loop3A_183 = arith.addi %parallel_loop3A_181, %parallel_loop3A_182 : i32
      %parallel_loop3A_184 = arith.constant 16 : i32
      %parallel_loop3A_185 = arith.muli %parallel_loop3A_183, %parallel_loop3A_184 : i32
      %parallel_loop3A_186 = arith.index_cast %parallel_loop3A_185 : i32 to index
      %parallel_loop3A_187 = tpu.vector_load %arg5[%parallel_loop3A_186] {strides = array<i32>} : memref<8192xf32, #tpu.memory_space<vmem>>, vector<16xf32>,
      %parallel_loop3A_188 = vector.shape_cast %parallel_loop3A_187 : vector<16xf32> to vector<16xf32>
      %parallel_loop3A_189 = arith.index_cast %parallel_loop3A_185 : i32 to index
      %parallel_loop3A_190 = tpu.vector_load %arg7[%parallel_loop3A_189] {strides = array<i32>} : memref<8192xi32, #tpu.memory_space<vmem>>, vector<16xi32>,
      %parallel_loop3A_191 = vector.shape_cast %parallel_loop3A_190 : vector<16xi32> to vector<16xi32>
      %parallel_loop3A_192 = arith.constant 0 : i32
      %parallel_loop3A_193 = vector.broadcast %parallel_loop3A_192 : i32 to vector<16xi32>
      %parallel_loop3A_194 = arith.cmpi sgt, %parallel_loop3A_191, %parallel_loop3A_193 : vector<16xi32>
      %parallel_loop3A_195 = arith.select %parallel_loop3A_194, %parallel_loop3A_188, %broadcast_in_dim3A_3 : vector<16xi1>, vector<16xf32>
      %parallel_loop3A_196 = arith.maximumf %parallel_loop3A_113, %parallel_loop3A_195 : vector<16xf32>
      %parallel_loop3A_197 = arith.select %parallel_loop3A_194, %broadcast_in_dim3A_3, %parallel_loop3A_188 : vector<16xi1>, vector<16xf32>
      %parallel_loop3A_198 = arith.maximumf %parallel_loop3A_114, %parallel_loop3A_197 : vector<16xf32>
      %parallel_loop3A_199 = arith.constant 8 : i32
      %parallel_loop3A_200 = arith.muli %parallel_loop3A_106, %parallel_loop3A_199 : i32
      %parallel_loop3A_201 = arith.constant 4 : i32
      %parallel_loop3A_202 = arith.addi %parallel_loop3A_200, %parallel_loop3A_201 : i32
      %parallel_loop3A_203 = arith.constant 16 : i32
      %parallel_loop3A_204 = arith.muli %parallel_loop3A_202, %parallel_loop3A_203 : i32
      %parallel_loop3A_205 = arith.index_cast %parallel_loop3A_204 : i32 to index
      %parallel_loop3A_206 = tpu.vector_load %arg5[%parallel_loop3A_205] {strides = array<i32>} : memref<8192xf32, #tpu.memory_space<vmem>>, vector<16xf32>,
      %parallel_loop3A_207 = vector.shape_cast %parallel_loop3A_206 : vector<16xf32> to vector<16xf32>
      %parallel_loop3A_208 = arith.index_cast %parallel_loop3A_204 : i32 to index
      %parallel_loop3A_209 = tpu.vector_load %arg7[%parallel_loop3A_208] {strides = array<i32>} : memref<8192xi32, #tpu.memory_space<vmem>>, vector<16xi32>,
      %parallel_loop3A_210 = vector.shape_cast %parallel_loop3A_209 : vector<16xi32> to vector<16xi32>
      %parallel_loop3A_211 = arith.constant 0 : i32
      %parallel_loop3A_212 = vector.broadcast %parallel_loop3A_211 : i32 to vector<16xi32>
      %parallel_loop3A_213 = arith.cmpi sgt, %parallel_loop3A_210, %parallel_loop3A_212 : vector<16xi32>
      %parallel_loop3A_214 = arith.select %parallel_loop3A_213, %parallel_loop3A_207, %broadcast_in_dim3A_3 : vector<16xi1>, vector<16xf32>
      %parallel_loop3A_215 = arith.maximumf %parallel_loop3A_115, %parallel_loop3A_214 : vector<16xf32>
      %parallel_loop3A_216 = arith.select %parallel_loop3A_213, %broadcast_in_dim3A_3, %parallel_loop3A_207 : vector<16xi1>, vector<16xf32>
      %parallel_loop3A_217 = arith.maximumf %parallel_loop3A_116, %parallel_loop3A_216 : vector<16xf32>
      %parallel_loop3A_218 = arith.constant 8 : i32
      %parallel_loop3A_219 = arith.muli %parallel_loop3A_106, %parallel_loop3A_218 : i32
      %parallel_loop3A_220 = arith.constant 5 : i32
      %parallel_loop3A_221 = arith.addi %parallel_loop3A_219, %parallel_loop3A_220 : i32
      %parallel_loop3A_222 = arith.constant 16 : i32
      %parallel_loop3A_223 = arith.muli %parallel_loop3A_221, %parallel_loop3A_222 : i32
      %parallel_loop3A_224 = arith.index_cast %parallel_loop3A_223 : i32 to index
      %parallel_loop3A_225 = tpu.vector_load %arg5[%parallel_loop3A_224] {strides = array<i32>} : memref<8192xf32, #tpu.memory_space<vmem>>, vector<16xf32>,
      %parallel_loop3A_226 = vector.shape_cast %parallel_loop3A_225 : vector<16xf32> to vector<16xf32>
      %parallel_loop3A_227 = arith.index_cast %parallel_loop3A_223 : i32 to index
      %parallel_loop3A_228 = tpu.vector_load %arg7[%parallel_loop3A_227] {strides = array<i32>} : memref<8192xi32, #tpu.memory_space<vmem>>, vector<16xi32>,
      %parallel_loop3A_229 = vector.shape_cast %parallel_loop3A_228 : vector<16xi32> to vector<16xi32>
      %parallel_loop3A_230 = arith.constant 0 : i32
      %parallel_loop3A_231 = vector.broadcast %parallel_loop3A_230 : i32 to vector<16xi32>
      %parallel_loop3A_232 = arith.cmpi sgt, %parallel_loop3A_229, %parallel_loop3A_231 : vector<16xi32>
      %parallel_loop3A_233 = arith.select %parallel_loop3A_232, %parallel_loop3A_226, %broadcast_in_dim3A_3 : vector<16xi1>, vector<16xf32>
      %parallel_loop3A_234 = arith.maximumf %parallel_loop3A_117, %parallel_loop3A_233 : vector<16xf32>
      %parallel_loop3A_235 = arith.select %parallel_loop3A_232, %broadcast_in_dim3A_3, %parallel_loop3A_226 : vector<16xi1>, vector<16xf32>
      %parallel_loop3A_236 = arith.maximumf %parallel_loop3A_118, %parallel_loop3A_235 : vector<16xf32>
      %parallel_loop3A_237 = arith.constant 8 : i32
      %parallel_loop3A_238 = arith.muli %parallel_loop3A_106, %parallel_loop3A_237 : i32
      %parallel_loop3A_239 = arith.constant 6 : i32
      %parallel_loop3A_240 = arith.addi %parallel_loop3A_238, %parallel_loop3A_239 : i32
      %parallel_loop3A_241 = arith.constant 16 : i32
      %parallel_loop3A_242 = arith.muli %parallel_loop3A_240, %parallel_loop3A_241 : i32
      %parallel_loop3A_243 = arith.index_cast %parallel_loop3A_242 : i32 to index
      %parallel_loop3A_244 = tpu.vector_load %arg5[%parallel_loop3A_243] {strides = array<i32>} : memref<8192xf32, #tpu.memory_space<vmem>>, vector<16xf32>,
      %parallel_loop3A_245 = vector.shape_cast %parallel_loop3A_244 : vector<16xf32> to vector<16xf32>
      %parallel_loop3A_246 = arith.index_cast %parallel_loop3A_242 : i32 to index
      %parallel_loop3A_247 = tpu.vector_load %arg7[%parallel_loop3A_246] {strides = array<i32>} : memref<8192xi32, #tpu.memory_space<vmem>>, vector<16xi32>,
      %parallel_loop3A_248 = vector.shape_cast %parallel_loop3A_247 : vector<16xi32> to vector<16xi32>
      %parallel_loop3A_249 = arith.constant 0 : i32
      %parallel_loop3A_250 = vector.broadcast %parallel_loop3A_249 : i32 to vector<16xi32>
      %parallel_loop3A_251 = arith.cmpi sgt, %parallel_loop3A_248, %parallel_loop3A_250 : vector<16xi32>
      %parallel_loop3A_252 = arith.select %parallel_loop3A_251, %parallel_loop3A_245, %broadcast_in_dim3A_3 : vector<16xi1>, vector<16xf32>
      %parallel_loop3A_253 = arith.maximumf %parallel_loop3A_119, %parallel_loop3A_252 : vector<16xf32>
      %parallel_loop3A_254 = arith.select %parallel_loop3A_251, %broadcast_in_dim3A_3, %parallel_loop3A_245 : vector<16xi1>, vector<16xf32>
      %parallel_loop3A_255 = arith.maximumf %parallel_loop3A_120, %parallel_loop3A_254 : vector<16xf32>
      %parallel_loop3A_256 = arith.constant 8 : i32
      %parallel_loop3A_257 = arith.muli %parallel_loop3A_106, %parallel_loop3A_256 : i32
      %parallel_loop3A_258 = arith.constant 7 : i32
      %parallel_loop3A_259 = arith.addi %parallel_loop3A_257, %parallel_loop3A_258 : i32
      %parallel_loop3A_260 = arith.constant 16 : i32
      %parallel_loop3A_261 = arith.muli %parallel_loop3A_259, %parallel_loop3A_260 : i32
      %parallel_loop3A_262 = arith.index_cast %parallel_loop3A_261 : i32 to index
      %parallel_loop3A_263 = tpu.vector_load %arg5[%parallel_loop3A_262] {strides = array<i32>} : memref<8192xf32, #tpu.memory_space<vmem>>, vector<16xf32>,
      %parallel_loop3A_264 = vector.shape_cast %parallel_loop3A_263 : vector<16xf32> to vector<16xf32>
      %parallel_loop3A_265 = arith.index_cast %parallel_loop3A_261 : i32 to index
      %parallel_loop3A_266 = tpu.vector_load %arg7[%parallel_loop3A_265] {strides = array<i32>} : memref<8192xi32, #tpu.memory_space<vmem>>, vector<16xi32>,
      %parallel_loop3A_267 = vector.shape_cast %parallel_loop3A_266 : vector<16xi32> to vector<16xi32>
      %parallel_loop3A_268 = arith.constant 0 : i32
      %parallel_loop3A_269 = vector.broadcast %parallel_loop3A_268 : i32 to vector<16xi32>
      %parallel_loop3A_270 = arith.cmpi sgt, %parallel_loop3A_267, %parallel_loop3A_269 : vector<16xi32>
      %parallel_loop3A_271 = arith.select %parallel_loop3A_270, %parallel_loop3A_264, %broadcast_in_dim3A_3 : vector<16xi1>, vector<16xf32>
      %parallel_loop3A_272 = arith.maximumf %parallel_loop3A_121, %parallel_loop3A_271 : vector<16xf32>
      %parallel_loop3A_273 = arith.select %parallel_loop3A_270, %broadcast_in_dim3A_3, %parallel_loop3A_264 : vector<16xi1>, vector<16xf32>
      %parallel_loop3A_274 = arith.maximumf %parallel_loop3A_122, %parallel_loop3A_273 : vector<16xf32>
      scf.yield %parallel_loop3A_139, %parallel_loop3A_141, %parallel_loop3A_158, %parallel_loop3A_160, %parallel_loop3A_177, %parallel_loop3A_179, %parallel_loop3A_196, %parallel_loop3A_198, %parallel_loop3A_215, %parallel_loop3A_217, %parallel_loop3A_234, %parallel_loop3A_236, %parallel_loop3A_253, %parallel_loop3A_255, %parallel_loop3A_272, %parallel_loop3A_274 : vector<16xf32>, vector<16xf32>, vector<16xf32>, vector<16xf32>, vector<16xf32>, vector<16xf32>, vector<16xf32>, vector<16xf32>, vector<16xf32>, vector<16xf32>, vector<16xf32>, vector<16xf32>, vector<16xf32>, vector<16xf32>, vector<16xf32>, vector<16xf32>
    } {sc.loop_unroll_factor = 2 : i64, sc.parallel_access}
    %dma_wait3A_77 = tpu.memref_slice %arg2[%add3A_64] : memref<4194304xf32, #tpu.memory_space<hbm>> -> memref<8192xf32, #tpu.memory_space<hbm>>
    %dma_wait3A_78 = tpu.memref_slice %arg2[%add3A_64] : memref<4194304xf32, #tpu.memory_space<hbm>> -> memref<8192xf32, #tpu.memory_space<hbm>>
    tpu.wait_dma2 semaphore(%arg12 : memref<!tpu.dma_semaphore, #tpu.memory_space<semaphore_mem>>) src(%dma_wait3A_78 : memref<8192xf32, #tpu.memory_space<hbm>>) dst(%arg6 : memref<8192xf32, #tpu.memory_space<vmem>>)
    %dma_wait3A_79 = tpu.memref_slice %arg3[%add3A_64] : memref<4194304xi32, #tpu.memory_space<hbm>> -> memref<8192xi32, #tpu.memory_space<hbm>>
    %dma_wait3A_80 = tpu.memref_slice %arg3[%add3A_64] : memref<4194304xi32, #tpu.memory_space<hbm>> -> memref<8192xi32, #tpu.memory_space<hbm>>
    tpu.wait_dma2 semaphore(%arg12 : memref<!tpu.dma_semaphore, #tpu.memory_space<semaphore_mem>>) src(%dma_wait3A_80 : memref<8192xi32, #tpu.memory_space<hbm>>) dst(%arg8 : memref<8192xi32, #tpu.memory_space<vmem>>)
    %parallel_loop3A_81 = arith.constant 0 : i32
    %parallel_loop3A_82 = arith.constant 64 : i32
    %parallel_loop3A_83 = arith.constant 1 : i32
    %parallel_loop3A_84:16 = scf.for %parallel_loop3A_106 = %parallel_loop3A_81 to %parallel_loop3A_82 step %parallel_loop3A_83 iter_args(%parallel_loop3A_107 = %parallel_loop3A_76#0, %parallel_loop3A_108 = %parallel_loop3A_76#1, %parallel_loop3A_109 = %parallel_loop3A_76#2, %parallel_loop3A_110 = %parallel_loop3A_76#3, %parallel_loop3A_111 = %parallel_loop3A_76#4, %parallel_loop3A_112 = %parallel_loop3A_76#5, %parallel_loop3A_113 = %parallel_loop3A_76#6, %parallel_loop3A_114 = %parallel_loop3A_76#7, %parallel_loop3A_115 = %parallel_loop3A_76#8, %parallel_loop3A_116 = %parallel_loop3A_76#9, %parallel_loop3A_117 = %parallel_loop3A_76#10, %parallel_loop3A_118 = %parallel_loop3A_76#11, %parallel_loop3A_119 = %parallel_loop3A_76#12, %parallel_loop3A_120 = %parallel_loop3A_76#13, %parallel_loop3A_121 = %parallel_loop3A_76#14, %parallel_loop3A_122 = %parallel_loop3A_76#15) -> (vector<16xf32>, vector<16xf32>, vector<16xf32>, vector<16xf32>, vector<16xf32>, vector<16xf32>, vector<16xf32>, vector<16xf32>, vector<16xf32>, vector<16xf32>, vector<16xf32>, vector<16xf32>, vector<16xf32>, vector<16xf32>, vector<16xf32>, vector<16xf32>)  : i32 {
      %parallel_loop3A_123 = arith.constant 8 : i32
      %parallel_loop3A_124 = arith.muli %parallel_loop3A_106, %parallel_loop3A_123 : i32
      %parallel_loop3A_125 = arith.constant 0 : i32
      %parallel_loop3A_126 = arith.addi %parallel_loop3A_124, %parallel_loop3A_125 : i32
      %parallel_loop3A_127 = arith.constant 16 : i32
      %parallel_loop3A_128 = arith.muli %parallel_loop3A_126, %parallel_loop3A_127 : i32
      %parallel_loop3A_129 = arith.index_cast %parallel_loop3A_128 : i32 to index
      %parallel_loop3A_130 = tpu.vector_load %arg6[%parallel_loop3A_129] {strides = array<i32>} : memref<8192xf32, #tpu.memory_space<vmem>>, vector<16xf32>,
      %parallel_loop3A_131 = vector.shape_cast %parallel_loop3A_130 : vector<16xf32> to vector<16xf32>
      %parallel_loop3A_132 = arith.index_cast %parallel_loop3A_128 : i32 to index
      %parallel_loop3A_133 = tpu.vector_load %arg8[%parallel_loop3A_132] {strides = array<i32>} : memref<8192xi32, #tpu.memory_space<vmem>>, vector<16xi32>,
      %parallel_loop3A_134 = vector.shape_cast %parallel_loop3A_133 : vector<16xi32> to vector<16xi32>
      %parallel_loop3A_135 = arith.constant 0 : i32
      %parallel_loop3A_136 = vector.broadcast %parallel_loop3A_135 : i32 to vector<16xi32>
      %parallel_loop3A_137 = arith.cmpi sgt, %parallel_loop3A_134, %parallel_loop3A_136 : vector<16xi32>
      %parallel_loop3A_138 = arith.select %parallel_loop3A_137, %parallel_loop3A_131, %broadcast_in_dim3A_3 : vector<16xi1>, vector<16xf32>
      %parallel_loop3A_139 = arith.maximumf %parallel_loop3A_107, %parallel_loop3A_138 : vector<16xf32>
      %parallel_loop3A_140 = arith.select %parallel_loop3A_137, %broadcast_in_dim3A_3, %parallel_loop3A_131 : vector<16xi1>, vector<16xf32>
      %parallel_loop3A_141 = arith.maximumf %parallel_loop3A_108, %parallel_loop3A_140 : vector<16xf32>
      %parallel_loop3A_142 = arith.constant 8 : i32
      %parallel_loop3A_143 = arith.muli %parallel_loop3A_106, %parallel_loop3A_142 : i32
      %parallel_loop3A_144 = arith.constant 1 : i32
      %parallel_loop3A_145 = arith.addi %parallel_loop3A_143, %parallel_loop3A_144 : i32
      %parallel_loop3A_146 = arith.constant 16 : i32
      %parallel_loop3A_147 = arith.muli %parallel_loop3A_145, %parallel_loop3A_146 : i32
      %parallel_loop3A_148 = arith.index_cast %parallel_loop3A_147 : i32 to index
      %parallel_loop3A_149 = tpu.vector_load %arg6[%parallel_loop3A_148] {strides = array<i32>} : memref<8192xf32, #tpu.memory_space<vmem>>, vector<16xf32>,
      %parallel_loop3A_150 = vector.shape_cast %parallel_loop3A_149 : vector<16xf32> to vector<16xf32>
      %parallel_loop3A_151 = arith.index_cast %parallel_loop3A_147 : i32 to index
      %parallel_loop3A_152 = tpu.vector_load %arg8[%parallel_loop3A_151] {strides = array<i32>} : memref<8192xi32, #tpu.memory_space<vmem>>, vector<16xi32>,
      %parallel_loop3A_153 = vector.shape_cast %parallel_loop3A_152 : vector<16xi32> to vector<16xi32>
      %parallel_loop3A_154 = arith.constant 0 : i32
      %parallel_loop3A_155 = vector.broadcast %parallel_loop3A_154 : i32 to vector<16xi32>
      %parallel_loop3A_156 = arith.cmpi sgt, %parallel_loop3A_153, %parallel_loop3A_155 : vector<16xi32>
      %parallel_loop3A_157 = arith.select %parallel_loop3A_156, %parallel_loop3A_150, %broadcast_in_dim3A_3 : vector<16xi1>, vector<16xf32>
      %parallel_loop3A_158 = arith.maximumf %parallel_loop3A_109, %parallel_loop3A_157 : vector<16xf32>
      %parallel_loop3A_159 = arith.select %parallel_loop3A_156, %broadcast_in_dim3A_3, %parallel_loop3A_150 : vector<16xi1>, vector<16xf32>
      %parallel_loop3A_160 = arith.maximumf %parallel_loop3A_110, %parallel_loop3A_159 : vector<16xf32>
      %parallel_loop3A_161 = arith.constant 8 : i32
      %parallel_loop3A_162 = arith.muli %parallel_loop3A_106, %parallel_loop3A_161 : i32
      %parallel_loop3A_163 = arith.constant 2 : i32
      %parallel_loop3A_164 = arith.addi %parallel_loop3A_162, %parallel_loop3A_163 : i32
      %parallel_loop3A_165 = arith.constant 16 : i32
      %parallel_loop3A_166 = arith.muli %parallel_loop3A_164, %parallel_loop3A_165 : i32
      %parallel_loop3A_167 = arith.index_cast %parallel_loop3A_166 : i32 to index
      %parallel_loop3A_168 = tpu.vector_load %arg6[%parallel_loop3A_167] {strides = array<i32>} : memref<8192xf32, #tpu.memory_space<vmem>>, vector<16xf32>,
      %parallel_loop3A_169 = vector.shape_cast %parallel_loop3A_168 : vector<16xf32> to vector<16xf32>
      %parallel_loop3A_170 = arith.index_cast %parallel_loop3A_166 : i32 to index
      %parallel_loop3A_171 = tpu.vector_load %arg8[%parallel_loop3A_170] {strides = array<i32>} : memref<8192xi32, #tpu.memory_space<vmem>>, vector<16xi32>,
      %parallel_loop3A_172 = vector.shape_cast %parallel_loop3A_171 : vector<16xi32> to vector<16xi32>
      %parallel_loop3A_173 = arith.constant 0 : i32
      %parallel_loop3A_174 = vector.broadcast %parallel_loop3A_173 : i32 to vector<16xi32>
      %parallel_loop3A_175 = arith.cmpi sgt, %parallel_loop3A_172, %parallel_loop3A_174 : vector<16xi32>
      %parallel_loop3A_176 = arith.select %parallel_loop3A_175, %parallel_loop3A_169, %broadcast_in_dim3A_3 : vector<16xi1>, vector<16xf32>
      %parallel_loop3A_177 = arith.maximumf %parallel_loop3A_111, %parallel_loop3A_176 : vector<16xf32>
      %parallel_loop3A_178 = arith.select %parallel_loop3A_175, %broadcast_in_dim3A_3, %parallel_loop3A_169 : vector<16xi1>, vector<16xf32>
      %parallel_loop3A_179 = arith.maximumf %parallel_loop3A_112, %parallel_loop3A_178 : vector<16xf32>
      %parallel_loop3A_180 = arith.constant 8 : i32
      %parallel_loop3A_181 = arith.muli %parallel_loop3A_106, %parallel_loop3A_180 : i32
      %parallel_loop3A_182 = arith.constant 3 : i32
      %parallel_loop3A_183 = arith.addi %parallel_loop3A_181, %parallel_loop3A_182 : i32
      %parallel_loop3A_184 = arith.constant 16 : i32
      %parallel_loop3A_185 = arith.muli %parallel_loop3A_183, %parallel_loop3A_184 : i32
      %parallel_loop3A_186 = arith.index_cast %parallel_loop3A_185 : i32 to index
      %parallel_loop3A_187 = tpu.vector_load %arg6[%parallel_loop3A_186] {strides = array<i32>} : memref<8192xf32, #tpu.memory_space<vmem>>, vector<16xf32>,
      %parallel_loop3A_188 = vector.shape_cast %parallel_loop3A_187 : vector<16xf32> to vector<16xf32>
      %parallel_loop3A_189 = arith.index_cast %parallel_loop3A_185 : i32 to index
      %parallel_loop3A_190 = tpu.vector_load %arg8[%parallel_loop3A_189] {strides = array<i32>} : memref<8192xi32, #tpu.memory_space<vmem>>, vector<16xi32>,
      %parallel_loop3A_191 = vector.shape_cast %parallel_loop3A_190 : vector<16xi32> to vector<16xi32>
      %parallel_loop3A_192 = arith.constant 0 : i32
      %parallel_loop3A_193 = vector.broadcast %parallel_loop3A_192 : i32 to vector<16xi32>
      %parallel_loop3A_194 = arith.cmpi sgt, %parallel_loop3A_191, %parallel_loop3A_193 : vector<16xi32>
      %parallel_loop3A_195 = arith.select %parallel_loop3A_194, %parallel_loop3A_188, %broadcast_in_dim3A_3 : vector<16xi1>, vector<16xf32>
      %parallel_loop3A_196 = arith.maximumf %parallel_loop3A_113, %parallel_loop3A_195 : vector<16xf32>
      %parallel_loop3A_197 = arith.select %parallel_loop3A_194, %broadcast_in_dim3A_3, %parallel_loop3A_188 : vector<16xi1>, vector<16xf32>
      %parallel_loop3A_198 = arith.maximumf %parallel_loop3A_114, %parallel_loop3A_197 : vector<16xf32>
      %parallel_loop3A_199 = arith.constant 8 : i32
      %parallel_loop3A_200 = arith.muli %parallel_loop3A_106, %parallel_loop3A_199 : i32
      %parallel_loop3A_201 = arith.constant 4 : i32
      %parallel_loop3A_202 = arith.addi %parallel_loop3A_200, %parallel_loop3A_201 : i32
      %parallel_loop3A_203 = arith.constant 16 : i32
      %parallel_loop3A_204 = arith.muli %parallel_loop3A_202, %parallel_loop3A_203 : i32
      %parallel_loop3A_205 = arith.index_cast %parallel_loop3A_204 : i32 to index
      %parallel_loop3A_206 = tpu.vector_load %arg6[%parallel_loop3A_205] {strides = array<i32>} : memref<8192xf32, #tpu.memory_space<vmem>>, vector<16xf32>,
      %parallel_loop3A_207 = vector.shape_cast %parallel_loop3A_206 : vector<16xf32> to vector<16xf32>
      %parallel_loop3A_208 = arith.index_cast %parallel_loop3A_204 : i32 to index
      %parallel_loop3A_209 = tpu.vector_load %arg8[%parallel_loop3A_208] {strides = array<i32>} : memref<8192xi32, #tpu.memory_space<vmem>>, vector<16xi32>,
      %parallel_loop3A_210 = vector.shape_cast %parallel_loop3A_209 : vector<16xi32> to vector<16xi32>
      %parallel_loop3A_211 = arith.constant 0 : i32
      %parallel_loop3A_212 = vector.broadcast %parallel_loop3A_211 : i32 to vector<16xi32>
      %parallel_loop3A_213 = arith.cmpi sgt, %parallel_loop3A_210, %parallel_loop3A_212 : vector<16xi32>
      %parallel_loop3A_214 = arith.select %parallel_loop3A_213, %parallel_loop3A_207, %broadcast_in_dim3A_3 : vector<16xi1>, vector<16xf32>
      %parallel_loop3A_215 = arith.maximumf %parallel_loop3A_115, %parallel_loop3A_214 : vector<16xf32>
      %parallel_loop3A_216 = arith.select %parallel_loop3A_213, %broadcast_in_dim3A_3, %parallel_loop3A_207 : vector<16xi1>, vector<16xf32>
      %parallel_loop3A_217 = arith.maximumf %parallel_loop3A_116, %parallel_loop3A_216 : vector<16xf32>
      %parallel_loop3A_218 = arith.constant 8 : i32
      %parallel_loop3A_219 = arith.muli %parallel_loop3A_106, %parallel_loop3A_218 : i32
      %parallel_loop3A_220 = arith.constant 5 : i32
      %parallel_loop3A_221 = arith.addi %parallel_loop3A_219, %parallel_loop3A_220 : i32
      %parallel_loop3A_222 = arith.constant 16 : i32
      %parallel_loop3A_223 = arith.muli %parallel_loop3A_221, %parallel_loop3A_222 : i32
      %parallel_loop3A_224 = arith.index_cast %parallel_loop3A_223 : i32 to index
      %parallel_loop3A_225 = tpu.vector_load %arg6[%parallel_loop3A_224] {strides = array<i32>} : memref<8192xf32, #tpu.memory_space<vmem>>, vector<16xf32>,
      %parallel_loop3A_226 = vector.shape_cast %parallel_loop3A_225 : vector<16xf32> to vector<16xf32>
      %parallel_loop3A_227 = arith.index_cast %parallel_loop3A_223 : i32 to index
      %parallel_loop3A_228 = tpu.vector_load %arg8[%parallel_loop3A_227] {strides = array<i32>} : memref<8192xi32, #tpu.memory_space<vmem>>, vector<16xi32>,
      %parallel_loop3A_229 = vector.shape_cast %parallel_loop3A_228 : vector<16xi32> to vector<16xi32>
      %parallel_loop3A_230 = arith.constant 0 : i32
      %parallel_loop3A_231 = vector.broadcast %parallel_loop3A_230 : i32 to vector<16xi32>
      %parallel_loop3A_232 = arith.cmpi sgt, %parallel_loop3A_229, %parallel_loop3A_231 : vector<16xi32>
      %parallel_loop3A_233 = arith.select %parallel_loop3A_232, %parallel_loop3A_226, %broadcast_in_dim3A_3 : vector<16xi1>, vector<16xf32>
      %parallel_loop3A_234 = arith.maximumf %parallel_loop3A_117, %parallel_loop3A_233 : vector<16xf32>
      %parallel_loop3A_235 = arith.select %parallel_loop3A_232, %broadcast_in_dim3A_3, %parallel_loop3A_226 : vector<16xi1>, vector<16xf32>
      %parallel_loop3A_236 = arith.maximumf %parallel_loop3A_118, %parallel_loop3A_235 : vector<16xf32>
      %parallel_loop3A_237 = arith.constant 8 : i32
      %parallel_loop3A_238 = arith.muli %parallel_loop3A_106, %parallel_loop3A_237 : i32
      %parallel_loop3A_239 = arith.constant 6 : i32
      %parallel_loop3A_240 = arith.addi %parallel_loop3A_238, %parallel_loop3A_239 : i32
      %parallel_loop3A_241 = arith.constant 16 : i32
      %parallel_loop3A_242 = arith.muli %parallel_loop3A_240, %parallel_loop3A_241 : i32
      %parallel_loop3A_243 = arith.index_cast %parallel_loop3A_242 : i32 to index
      %parallel_loop3A_244 = tpu.vector_load %arg6[%parallel_loop3A_243] {strides = array<i32>} : memref<8192xf32, #tpu.memory_space<vmem>>, vector<16xf32>,
      %parallel_loop3A_245 = vector.shape_cast %parallel_loop3A_244 : vector<16xf32> to vector<16xf32>
      %parallel_loop3A_246 = arith.index_cast %parallel_loop3A_242 : i32 to index
      %parallel_loop3A_247 = tpu.vector_load %arg8[%parallel_loop3A_246] {strides = array<i32>} : memref<8192xi32, #tpu.memory_space<vmem>>, vector<16xi32>,
      %parallel_loop3A_248 = vector.shape_cast %parallel_loop3A_247 : vector<16xi32> to vector<16xi32>
      %parallel_loop3A_249 = arith.constant 0 : i32
      %parallel_loop3A_250 = vector.broadcast %parallel_loop3A_249 : i32 to vector<16xi32>
      %parallel_loop3A_251 = arith.cmpi sgt, %parallel_loop3A_248, %parallel_loop3A_250 : vector<16xi32>
      %parallel_loop3A_252 = arith.select %parallel_loop3A_251, %parallel_loop3A_245, %broadcast_in_dim3A_3 : vector<16xi1>, vector<16xf32>
      %parallel_loop3A_253 = arith.maximumf %parallel_loop3A_119, %parallel_loop3A_252 : vector<16xf32>
      %parallel_loop3A_254 = arith.select %parallel_loop3A_251, %broadcast_in_dim3A_3, %parallel_loop3A_245 : vector<16xi1>, vector<16xf32>
      %parallel_loop3A_255 = arith.maximumf %parallel_loop3A_120, %parallel_loop3A_254 : vector<16xf32>
      %parallel_loop3A_256 = arith.constant 8 : i32
      %parallel_loop3A_257 = arith.muli %parallel_loop3A_106, %parallel_loop3A_256 : i32
      %parallel_loop3A_258 = arith.constant 7 : i32
      %parallel_loop3A_259 = arith.addi %parallel_loop3A_257, %parallel_loop3A_258 : i32
      %parallel_loop3A_260 = arith.constant 16 : i32
      %parallel_loop3A_261 = arith.muli %parallel_loop3A_259, %parallel_loop3A_260 : i32
      %parallel_loop3A_262 = arith.index_cast %parallel_loop3A_261 : i32 to index
      %parallel_loop3A_263 = tpu.vector_load %arg6[%parallel_loop3A_262] {strides = array<i32>} : memref<8192xf32, #tpu.memory_space<vmem>>, vector<16xf32>,
      %parallel_loop3A_264 = vector.shape_cast %parallel_loop3A_263 : vector<16xf32> to vector<16xf32>
      %parallel_loop3A_265 = arith.index_cast %parallel_loop3A_261 : i32 to index
      %parallel_loop3A_266 = tpu.vector_load %arg8[%parallel_loop3A_265] {strides = array<i32>} : memref<8192xi32, #tpu.memory_space<vmem>>, vector<16xi32>,
      %parallel_loop3A_267 = vector.shape_cast %parallel_loop3A_266 : vector<16xi32> to vector<16xi32>
      %parallel_loop3A_268 = arith.constant 0 : i32
      %parallel_loop3A_269 = vector.broadcast %parallel_loop3A_268 : i32 to vector<16xi32>
      %parallel_loop3A_270 = arith.cmpi sgt, %parallel_loop3A_267, %parallel_loop3A_269 : vector<16xi32>
      %parallel_loop3A_271 = arith.select %parallel_loop3A_270, %parallel_loop3A_264, %broadcast_in_dim3A_3 : vector<16xi1>, vector<16xf32>
      %parallel_loop3A_272 = arith.maximumf %parallel_loop3A_121, %parallel_loop3A_271 : vector<16xf32>
      %parallel_loop3A_273 = arith.select %parallel_loop3A_270, %broadcast_in_dim3A_3, %parallel_loop3A_264 : vector<16xi1>, vector<16xf32>
      %parallel_loop3A_274 = arith.maximumf %parallel_loop3A_122, %parallel_loop3A_273 : vector<16xf32>
      scf.yield %parallel_loop3A_139, %parallel_loop3A_141, %parallel_loop3A_158, %parallel_loop3A_160, %parallel_loop3A_177, %parallel_loop3A_179, %parallel_loop3A_196, %parallel_loop3A_198, %parallel_loop3A_215, %parallel_loop3A_217, %parallel_loop3A_234, %parallel_loop3A_236, %parallel_loop3A_253, %parallel_loop3A_255, %parallel_loop3A_272, %parallel_loop3A_274 : vector<16xf32>, vector<16xf32>, vector<16xf32>, vector<16xf32>, vector<16xf32>, vector<16xf32>, vector<16xf32>, vector<16xf32>, vector<16xf32>, vector<16xf32>, vector<16xf32>, vector<16xf32>, vector<16xf32>, vector<16xf32>, vector<16xf32>, vector<16xf32>
    } {sc.loop_unroll_factor = 2 : i64, sc.parallel_access}
    %max3A = arith.maximumf %parallel_loop3A_84#0, %parallel_loop3A_84#2 : vector<16xf32>
    %max3A_85 = arith.maximumf %parallel_loop3A_84#1, %parallel_loop3A_84#3 : vector<16xf32>
    %max3A_86 = arith.maximumf %max3A, %parallel_loop3A_84#4 : vector<16xf32>
    %max3A_87 = arith.maximumf %max3A_85, %parallel_loop3A_84#5 : vector<16xf32>
    %max3A_88 = arith.maximumf %max3A_86, %parallel_loop3A_84#6 : vector<16xf32>
    %max3A_89 = arith.maximumf %max3A_87, %parallel_loop3A_84#7 : vector<16xf32>
    %max3A_90 = arith.maximumf %max3A_88, %parallel_loop3A_84#8 : vector<16xf32>
    %max3A_91 = arith.maximumf %max3A_89, %parallel_loop3A_84#9 : vector<16xf32>
    %max3A_92 = arith.maximumf %max3A_90, %parallel_loop3A_84#10 : vector<16xf32>
    %max3A_93 = arith.maximumf %max3A_91, %parallel_loop3A_84#11 : vector<16xf32>
    %max3A_94 = arith.maximumf %max3A_92, %parallel_loop3A_84#12 : vector<16xf32>
    %max3A_95 = arith.maximumf %max3A_93, %parallel_loop3A_84#13 : vector<16xf32>
    %max3A_96 = arith.maximumf %max3A_94, %parallel_loop3A_84#14 : vector<16xf32>
    %max3A_97 = arith.maximumf %max3A_95, %parallel_loop3A_84#15 : vector<16xf32>
    %swap3A = arith.constant 0 : index
    %swap3A_98 = tpu.vector_load %arg9[%swap3A] {strides = array<i32>} : memref<16xf32, #tpu.memory_space<vmem>>, vector<16xf32>,
    %swap3A_99 = vector.shape_cast %swap3A_98 : vector<16xf32> to vector<16xf32>
    %swap3A_100 = vector.shape_cast %max3A_96 : vector<16xf32> to vector<16xf32>
    tpu.vector_store %arg9[%swap3A], %swap3A_100 {strides = array<i32>} : memref<16xf32, #tpu.memory_space<vmem>>, vector<16xf32>,
    %swap3A_101 = arith.constant 0 : index
    %swap3A_102 = tpu.vector_load %arg10[%swap3A_101] {strides = array<i32>} : memref<16xf32, #tpu.memory_space<vmem>>, vector<16xf32>,
    %swap3A_103 = vector.shape_cast %swap3A_102 : vector<16xf32> to vector<16xf32>
    %swap3A_104 = vector.shape_cast %max3A_97 : vector<16xf32> to vector<16xf32>
    tpu.vector_store %arg10[%swap3A_101], %swap3A_104 {strides = array<i32>} : memref<16xf32, #tpu.memory_space<vmem>>, vector<16xf32>,
    %run_scoped3A = arith.constant 0 : i32
    "tpu.region"() ({
      %run_scoped3A_106 = tpu.sem_alloc : memref<!tpu.dma_semaphore, #tpu.memory_space<semaphore_mem>>
      %dma_start3A_107 = arith.constant 0 : i32
      %dma_start3A_108 = tpu.memref_slice %arg4[%add3A, %run_scoped3A, %dma_start3A_107] : memref<32x2x16xf32, #tpu.memory_space<hbm>> -> memref<1x1x16xf32, #tpu.memory_space<hbm>>
      %dma_start3A_109 = tpu.memref_squeeze %dma_start3A_108 : memref<1x1x16xf32, #tpu.memory_space<hbm>> -> memref<16xf32, #tpu.memory_space<hbm>>
      %dma_start3A_110 = arith.constant 0 : i32
      %dma_start3A_111 = tpu.memref_slice %arg4[%add3A, %run_scoped3A, %dma_start3A_110] : memref<32x2x16xf32, #tpu.memory_space<hbm>> -> memref<1x1x16xf32, #tpu.memory_space<hbm>>
      %dma_start3A_112 = tpu.memref_squeeze %dma_start3A_111 : memref<1x1x16xf32, #tpu.memory_space<hbm>> -> memref<16xf32, #tpu.memory_space<hbm>>
      tpu.enqueue_dma source(%arg9 : memref<16xf32, #tpu.memory_space<vmem>>) target(%dma_start3A_112 : memref<16xf32, #tpu.memory_space<hbm>>) target_semaphore(%run_scoped3A_106 : memref<!tpu.dma_semaphore, #tpu.memory_space<semaphore_mem>>)
      %dma_wait3A_113 = arith.constant 0 : i32
      %dma_wait3A_114 = tpu.memref_slice %arg4[%add3A, %run_scoped3A, %dma_wait3A_113] : memref<32x2x16xf32, #tpu.memory_space<hbm>> -> memref<1x1x16xf32, #tpu.memory_space<hbm>>
      %dma_wait3A_115 = tpu.memref_squeeze %dma_wait3A_114 : memref<1x1x16xf32, #tpu.memory_space<hbm>> -> memref<16xf32, #tpu.memory_space<hbm>>
      %dma_wait3A_116 = arith.constant 0 : i32
      %dma_wait3A_117 = tpu.memref_slice %arg4[%add3A, %run_scoped3A, %dma_wait3A_116] : memref<32x2x16xf32, #tpu.memory_space<hbm>> -> memref<1x1x16xf32, #tpu.memory_space<hbm>>
      %dma_wait3A_118 = tpu.memref_squeeze %dma_wait3A_117 : memref<1x1x16xf32, #tpu.memory_space<hbm>> -> memref<16xf32, #tpu.memory_space<hbm>>
      tpu.wait_dma2 semaphore(%run_scoped3A_106 : memref<!tpu.dma_semaphore, #tpu.memory_space<semaphore_mem>>) src(%arg9 : memref<16xf32, #tpu.memory_space<vmem>>) dst(%dma_wait3A_118 : memref<16xf32, #tpu.memory_space<hbm>>)
      tpu.yield
    }) : () -> ()
    %run_scoped3A_105 = arith.constant 1 : i32
    "tpu.region"() ({
      %run_scoped3A_106 = tpu.sem_alloc : memref<!tpu.dma_semaphore, #tpu.memory_space<semaphore_mem>>
      %dma_start3A_107 = arith.constant 0 : i32
      %dma_start3A_108 = tpu.memref_slice %arg4[%add3A, %run_scoped3A_105, %dma_start3A_107] : memref<32x2x16xf32, #tpu.memory_space<hbm>> -> memref<1x1x16xf32, #tpu.memory_space<hbm>>
      %dma_start3A_109 = tpu.memref_squeeze %dma_start3A_108 : memref<1x1x16xf32, #tpu.memory_space<hbm>> -> memref<16xf32, #tpu.memory_space<hbm>>
      %dma_start3A_110 = arith.constant 0 : i32
      %dma_start3A_111 = tpu.memref_slice %arg4[%add3A, %run_scoped3A_105, %dma_start3A_110] : memref<32x2x16xf32, #tpu.memory_space<hbm>> -> memref<1x1x16xf32, #tpu.memory_space<hbm>>
      %dma_start3A_112 = tpu.memref_squeeze %dma_start3A_111 : memref<1x1x16xf32, #tpu.memory_space<hbm>> -> memref<16xf32, #tpu.memory_space<hbm>>
      tpu.enqueue_dma source(%arg10 : memref<16xf32, #tpu.memory_space<vmem>>) target(%dma_start3A_112 : memref<16xf32, #tpu.memory_space<hbm>>) target_semaphore(%run_scoped3A_106 : memref<!tpu.dma_semaphore, #tpu.memory_space<semaphore_mem>>)
      %dma_wait3A_113 = arith.constant 0 : i32
      %dma_wait3A_114 = tpu.memref_slice %arg4[%add3A, %run_scoped3A_105, %dma_wait3A_113] : memref<32x2x16xf32, #tpu.memory_space<hbm>> -> memref<1x1x16xf32, #tpu.memory_space<hbm>>
      %dma_wait3A_115 = tpu.memref_squeeze %dma_wait3A_114 : memref<1x1x16xf32, #tpu.memory_space<hbm>> -> memref<16xf32, #tpu.memory_space<hbm>>
      %dma_wait3A_116 = arith.constant 0 : i32
      %dma_wait3A_117 = tpu.memref_slice %arg4[%add3A, %run_scoped3A_105, %dma_wait3A_116] : memref<32x2x16xf32, #tpu.memory_space<hbm>> -> memref<1x1x16xf32, #tpu.memory_space<hbm>>
      %dma_wait3A_118 = tpu.memref_squeeze %dma_wait3A_117 : memref<1x1x16xf32, #tpu.memory_space<hbm>> -> memref<16xf32, #tpu.memory_space<hbm>>
      tpu.wait_dma2 semaphore(%run_scoped3A_106 : memref<!tpu.dma_semaphore, #tpu.memory_space<semaphore_mem>>) src(%arg10 : memref<16xf32, #tpu.memory_space<vmem>>) dst(%dma_wait3A_118 : memref<16xf32, #tpu.memory_space<hbm>>)
      tpu.yield
    }) : () -> ()
    return
  }
}

module attributes {stable_mosaic.version = 14 : i64} {
  func.func @_tc_kernel(%arg0: i32, %arg1: memref<2048x128xf32, #tpu.memory_space<vmem>>, %arg2: memref<2048x128xi32, #tpu.memory_space<vmem>>, %arg3: memref<1x2xf32, #tpu.memory_space<vmem>>) attributes {dimension_semantics = [#tpu.dimension_semantics<arbitrary>], iteration_bounds = array<i64: 10>, scalar_prefetch = 0 : i64, scratch_operands = 0 : i64, tpu.core_type = #tpu.core_type<tc>, window_params = [{transform_indices = @transform_0, window_bounds = array<i64: 2048, 128>}, {transform_indices = @transform_1, window_bounds = array<i64: 2048, 128>}, {pipeline_mode = #tpu.pipeline_mode<synchronous>, transform_indices = @transform_2, window_bounds = array<i64: 1, 2>}]} {
    %eq3A = arith.constant 0 : i32
    %eq3A_0 = arith.cmpi eq, %arg0, %eq3A : i32
    %convert_element_type3A = arith.extui %eq3A_0 : i1 to i32
    %cond3A = arith.constant 0 : i32
    %cond3A_1 = arith.cmpi ne, %convert_element_type3A, %cond3A : i32
    scf.if %cond3A_1 {
      %broadcast_in_dim3A_28 = arith.constant 0xFF800000 : f32
      %broadcast_in_dim3A_29 = vector.broadcast %broadcast_in_dim3A_28 : f32 to vector<1x2xf32>
      %swap3A_30 = arith.constant 0 : index
      %swap3A_31 = arith.constant 0 : index
      %swap3A_32 = vector.load %arg3[%swap3A_30, %swap3A_31] : memref<1x2xf32, #tpu.memory_space<vmem>>, vector<1x2xf32>
      tpu.vector_store %arg3[%swap3A_30, %swap3A_31], %broadcast_in_dim3A_29 {strides = array<i32>} : memref<1x2xf32, #tpu.memory_space<vmem>>, vector<1x2xf32>,
    } else {
    }
    %get3A = arith.constant 0 : index
    %get3A_2 = arith.constant 0 : index
    %get3A_3 = vector.load %arg1[%get3A, %get3A_2] : memref<2048x128xf32, #tpu.memory_space<vmem>>, vector<2048x128xf32>
    %get3A_4 = arith.constant 0 : index
    %get3A_5 = arith.constant 0 : index
    %get3A_6 = vector.load %arg2[%get3A_4, %get3A_5] : memref<2048x128xi32, #tpu.memory_space<vmem>>, vector<2048x128xi32>
    %gt3A = arith.constant 0 : i32
    %gt3A_7 = vector.broadcast %gt3A : i32 to vector<2048x128xi32>
    %gt3A_8 = arith.cmpi sgt, %get3A_6, %gt3A_7 : vector<2048x128xi32>
    %jit3A = arith.constant 0xFF800000 : f32
    %broadcast_in_dim3A = vector.broadcast %jit3A : f32 to vector<2048x128xf32>
    %select_n3A = arith.select %gt3A_8, %get3A_3, %broadcast_in_dim3A : vector<2048x128xi1>, vector<2048x128xf32>
    %reduce_max3A = vector.shape_cast %select_n3A : vector<2048x128xf32> to vector<1x2048x128xf32>
    %reduce_max3A_9 = arith.constant dense<0xFF800000> : vector<1xf32>
    %reduce_max3A_10 = vector.multi_reduction <maximumf>, %reduce_max3A, %reduce_max3A_9 [1, 2] : vector<1x2048x128xf32> to vector<1xf32>
    %reduce_max3A_11 = vector.shape_cast %reduce_max3A_10 : vector<1xf32> to vector<1x1x1xf32>
    %reduce_max3A_12 = vector.extract %reduce_max3A_11[0, 0, 0] : f32 from vector<1x1x1xf32>
    %jit3A_13 = arith.constant 0xFF800000 : f32
    %broadcast_in_dim3A_14 = vector.broadcast %jit3A_13 : f32 to vector<2048x128xf32>
    %select_n3A_15 = arith.select %gt3A_8, %broadcast_in_dim3A_14, %get3A_3 : vector<2048x128xi1>, vector<2048x128xf32>
    %reduce_max3A_16 = vector.shape_cast %select_n3A_15 : vector<2048x128xf32> to vector<1x2048x128xf32>
    %reduce_max3A_17 = arith.constant dense<0xFF800000> : vector<1xf32>
    %reduce_max3A_18 = vector.multi_reduction <maximumf>, %reduce_max3A_16, %reduce_max3A_17 [1, 2] : vector<1x2048x128xf32> to vector<1xf32>
    %reduce_max3A_19 = vector.shape_cast %reduce_max3A_18 : vector<1xf32> to vector<1x1x1xf32>
    %reduce_max3A_20 = vector.extract %reduce_max3A_19[0, 0, 0] : f32 from vector<1x1x1xf32>
    %get3A_21 = arith.constant 0 : index
    %get3A_22 = arith.constant 0 : index
    %get3A_23 = vector.load %arg3[%get3A_21, %get3A_22] : memref<1x2xf32, #tpu.memory_space<vmem>>, vector<1x2xf32>
    %stack3A = vector.broadcast %reduce_max3A_12 : f32 to vector<1xf32>
    %stack3A_24 = vector.broadcast %reduce_max3A_20 : f32 to vector<1xf32>
    %stack3A_25 = tpu.concatenate %stack3A, %stack3A_24 in 0 : vector<1xf32>, vector<1xf32> -> vector<2xf32>
    %reshape3A = vector.shape_cast %stack3A_25 : vector<2xf32> to vector<1x2xf32>
    %max3A = arith.maximumf %get3A_23, %reshape3A : vector<1x2xf32>
    %swap3A = arith.constant 0 : index
    %swap3A_26 = arith.constant 0 : index
    %swap3A_27 = vector.load %arg3[%swap3A, %swap3A_26] : memref<1x2xf32, #tpu.memory_space<vmem>>, vector<1x2xf32>
    tpu.vector_store %arg3[%swap3A, %swap3A_26], %max3A {strides = array<i32>} : memref<1x2xf32, #tpu.memory_space<vmem>>, vector<1x2xf32>,
    return
  }
  func.func @transform_0(%arg0: i32) -> (i32, i32) {
    %add3A = arith.constant 6 : i32
    %add3A_0 = arith.addi %add3A, %arg0 : i32
    %c0_i32 = arith.constant 0 : i32
    %c0_i32_1 = arith.constant 0 : i32
    return %add3A_0, %c0_i32 : i32, i32
  }
  func.func @transform_1(%arg0: i32) -> (i32, i32) {
    %add3A = arith.constant 6 : i32
    %add3A_0 = arith.addi %add3A, %arg0 : i32
    %c0_i32 = arith.constant 0 : i32
    %c0_i32_1 = arith.constant 0 : i32
    return %add3A_0, %c0_i32 : i32, i32
  }
  func.func @transform_2(%arg0: i32) -> (i32, i32) {
    %c0_i32 = arith.constant 0 : i32
    %c0_i32_0 = arith.constant 0 : i32
    %c0_i32_1 = arith.constant 0 : i32
    return %c0_i32, %c0_i32_0 : i32, i32
  }
}

</mosaic_0001>

<sc_bundles>
// kernel: kernel.4.cloned.1.call-start
scs
__scs_entry_jumppad:
0x0: {  	(pc) =	sbr.rel $0x88, $3  }
0x1: {  	(tag) =	ssettag $0x0;
	lr =	simm.s32 $0x1  }
0x2: {  	[smem:$0x3F9F] =	sst lr;
	_ =	strace $0xD0000000  }
0x3: {  	_ = 	snop  }
0x4: {  	_ = 	snop  }
0x5: {  	_ = 	snop  }
0x6: {  	_ = 	snop  }
0x7: {  	_ = 	snop  }
__scs_overlays_trampoline_lowered:
0x8: {  	[smem:$0x3FAE] =	sst s0  }
0x9: {  	[smem:$0x3FAF] =	sst s1  }
0xa: {  	[smem:$0x3FB0] =	sst s2  }
0xb: {  	[smem:$0x3FB1] =	sst s3  }
0xc: {  	[smem:$0x3FB2] =	sst s4  }
0xd: {  	[smem:$0x3FB3] =	sst s5  }
0xe: {  	[smem:$0x3FB4] =	sst s6  }
0xf: {  	[smem:$0x3FB5] =	sst s7  }
0x10: {  	[smem:$0x3FB6] =	sst s8  }
0x11: {  	[smem:$0x3FB7] =	sst s9;
	s0 =	simm.s32 @!p0 $0x0  }
0x12: {  	s1 =	sld [smem:$0x3F9D];
	s0 =	simm.s32 @p0 $0x1  }
0x13: {  	[smem:$0x3FB8] =	sst s0;
	s0 =	simm.s32 @!p1 $0x0  }
0x14: {  	s2 =	sld [smem:$0x3F9C];
	s0 =	simm.s32 @p1 $0x1  }
0x15: {  	[smem:$0x3FB9] =	sst s0;
	s0 =	simm.s32 @!p2 $0x0  }
0x16: {  	s3 =	sld [smem:$0x3FDB];
	s0 =	simm.s32 @p2 $0x1  }
0x17: {  	s4 =	simm.s32 $0x1BF5;
	[smem:$0x3FBB] =	sst s0  }
0x18: {  	s0 =	sld [smem:$0x3F9E];
	_ =	swait.ge [sflag:s4], $0x0  }
0x19: {  	s7 =	sld [smem:$0x3F9F]  }
0x1a: {  	s8 =	sadd.s32 $0xFFFFE003, lr  }
0x1b: {  	s9 =	sadd.s32 $0xFFFFFEF7, lr;
	s5 =	simm.s32 $0xFFFFFFFF;
	p2 =	slt.u32 s8, $0xFFFFF086  }
0x1c: {  	p1 =	slt.u32 s9, $0xF7A;
	s5 =	simm.s32 @!p2 $0x0  }
0x1d: {  	s5 =	simm.s32 @p1 $0x1;
	p0 =	seq.s32 s7, s2  }
0x1e: {  	s7 =	smul.u32 @!p0 $0xF7A, s2;
	p2 =	seq.s32 @!p0 s5, $0x0  }
0x1f: {  	s9 =	smul.u32 $0xF7A, s1;
	s8 =	simm.s32 @!p0 $0x1BF5;
	p2 =	por !p2, p0  }
0x20: {  	[sflag:s8] =	ssyncset.s32 @!p0 $0xFFFFF086;
	s6 =	sadd.s32 @!p0 s3, s7;
	s7 =	simm.s32 @!p0 $0x108  }
0x21: {  	s3 =	sadd.s32 s3, s9;
	s6 =	sadd.s32 @!p0 $0x88, s6;
	s7 =	simm.s32 @p2 $0x1082  }
0x22: {  	[simem:s7], [sflag:s8] =	dma.local @!p0 [hbm:s6], $0xF7A  }
0x23: {  	s9 =	sor.u32 $0xD0000000, s2;
	s6 =	simm.s32 $0x108;
	_ =	swait.ge @!p0 [sflag:s8], $0x0  }
0x24: {  	s3 =	sadd.s32 $0x88, s3;
	s6 =	simm.s32 @!p1 $0x1082;
	[sflag:s4] =	ssyncset.s32 $0xFFFFF086  }
0x25: {  	[simem:s6], [sflag:s4] =	dma.local [hbm:s3], $0xF7A  }
0x26: {  	[smem:$0x3F9F] =	sst s1;
	(tag) =	ssettag s2;
	_ =	strace s9  }
0x27: {  	s1 =	sld [smem:$0x3FAF]  }
0x28: {  	s2 =	sld [smem:$0x3FB0]  }
0x29: {  	s4 =	sld [smem:$0x3FB2]  }
0x2a: {  	p0 =	seq.s32 s5, $0x0;
	s5 =	sld [smem:$0x3FB3]  }
0x2b: {  	s6 =	sld [smem:$0x3FB4]  }
0x2c: {  	s7 =	sld [smem:$0x3FB5]  }
0x2d: {  	s3 =	simm.s32 $0x108;
	s8 =	sld [smem:$0x3FB6]  }
0x2e: {  	s3 =	simm.s32 @!p0 $0x1082;
	s9 =	sld [smem:$0x3FB7]  }
0x2f: {  	lr =	sadd.s32 s0, s3;
	s0 =	sld [smem:$0x3FAE]  }
0x30: {  	s3 =	sld [smem:$0x3FB1]  }
0x31: {  	[smem:$0x3FBA] =	sst s10  }
0x32: {  	s10 =	sld [smem:$0x3FB8];
	_ =	sdelay $0x3  }
0x33: {  	p0 =	seq.s32 s10, $0x1;
	s10 =	sld [smem:$0x3FBA];
	_ =	sdelay $0x3  }
0x34: {  	[smem:$0x3FBA] =	sst s10  }
0x35: {  	s10 =	sld [smem:$0x3FB9];
	_ =	sdelay $0x3  }
0x36: {  	p1 =	seq.s32 s10, $0x1;
	s10 =	sld [smem:$0x3FBA];
	_ =	sdelay $0x3  }
0x37: {  	[smem:$0x3FBA] =	sst s10  }
0x38: {  	s10 =	sld [smem:$0x3FBB]  }
0x39: {  	_ = 	snop;
	(pc) =	sbr.ind lr, $3  }
0x3a: {  	_ = 	snop  }
0x3b: {  	_ = 	snop  }
0x3c: {  	p2 =	seq.s32 s10, $0x1;
	s10 =	sld [smem:$0x3FBA]  }
0x3d: {  	_ =	shalt  }
0x3e: {  	_ =	shalt  }
0x3f: {  	_ =	shalt  }
0x40: {  	_ =	shalt  }
0x41: {  	_ =	shalt  }
0x42: {  	_ =	shalt  }
0x43: {  	_ =	shalt  }
0x44: {  	_ =	shalt  }
0x45: {  	_ =	shalt  }
0x46: {  	_ =	shalt  }
0x47: {  	_ =	shalt  }
0x48: {  	_ =	shalt  }
0x49: {  	_ =	shalt  }
0x4a: {  	_ =	shalt  }
0x4b: {  	_ =	shalt  }
0x4c: {  	_ =	shalt  }
0x4d: {  	_ =	shalt  }
0x4e: {  	_ =	shalt  }
0x4f: {  	_ =	shalt  }
0x50: {  	_ =	shalt  }
0x51: {  	_ =	shalt  }
0x52: {  	_ =	shalt  }
0x53: {  	_ =	shalt  }
0x54: {  	_ =	shalt  }
0x55: {  	_ =	shalt  }
0x56: {  	_ =	shalt  }
0x57: {  	_ =	shalt  }
0x58: {  	_ =	shalt  }
0x59: {  	_ =	shalt  }
0x5a: {  	_ =	shalt  }
0x5b: {  	_ =	shalt  }
0x5c: {  	_ =	shalt  }
0x5d: {  	_ =	shalt  }
0x5e: {  	_ =	shalt  }
0x5f: {  	_ =	shalt  }
0x60: {  	_ =	shalt  }
0x61: {  	_ =	shalt  }
0x62: {  	_ =	shalt  }
0x63: {  	_ =	shalt  }
0x64: {  	_ =	shalt  }
0x65: {  	_ =	shalt  }
0x66: {  	_ =	shalt  }
0x67: {  	_ =	shalt  }
0x68: {  	_ =	shalt  }
0x69: {  	_ =	shalt  }
0x6a: {  	_ =	shalt  }
0x6b: {  	_ =	shalt  }
0x6c: {  	_ =	shalt  }
0x6d: {  	_ =	shalt  }
0x6e: {  	_ =	shalt  }
0x6f: {  	_ =	shalt  }
0x70: {  	_ =	shalt  }
0x71: {  	_ =	shalt  }
0x72: {  	_ =	shalt  }
0x73: {  	_ =	shalt  }
0x74: {  	_ =	shalt  }
0x75: {  	_ =	shalt  }
0x76: {  	_ =	shalt  }
0x77: {  	_ =	shalt  }
0x78: {  	_ =	shalt  }
0x79: {  	_ =	shalt  }
0x7a: {  	_ =	shalt  }
0x7b: {  	_ =	shalt  }
0x7c: {  	_ =	shalt  }
0x7d: {  	_ =	shalt  }
0x7e: {  	_ =	shalt  }
0x7f: {  	_ =	shalt  }
0x80: {  	_ =	shalt  }
0x81: {  	_ =	shalt  }
0x82: {  	_ =	shalt  }
0x83: {  	_ =	shalt  }
0x84: {  	_ =	shalt  }
0x85: {  	_ =	shalt  }
0x86: {  	_ =	shalt  }
0x87: {  	_ =	shalt  }
.Lfunc_end0:
.L_simem_size_0:
called_computation_lowered:
.L_overlay_start_0:
0x88: {  	s2 =	sld [smem:$0x3FD9]  }
0x89: {  	s3 =	sld [smem:$0x3FFE];
	_ =	sdelay $0x1  }
0x8a: {  	s1 =	srdreg.scid  }
0x8b: {  	s0 =	sand.u32 $0x1, s1  }
0x8c: {  	s17 =	sshll.u32 s0, $0xA;
	s2 =	sadd.s32 s3, s2  }
0x8d: {  	s2 =	sadd.s32 s2, s17  }
0x8e: {  	[smem:$0x3FC6] =	sst s2  }
0x8f: {  	_ = 	snop  }
0x90: {  	s2 =	sld [smem:$0x3FC9]  }
0x91: {  	s18 =	sld [smem:$0x3FC8];
	(tm) =	ssettm $0x1  }
0x92: {  	s4 =	sld [smem:$0x3FFB];
	_ =	sdelay $0x3  }
0x93: {  	_ =	strace s4  }
0x94: {  	s4 =	sld [smem:$0x3FFC];
	_ =	sdelay $0x3  }
0x95: {  	_ =	strace s4  }
0x96: {  	s4 =	sld [smem:$0x3FFD];
	_ =	sdelay $0x3  }
0x97: {  	_ =	strace s4  }
0x98: {  	_ =	strace $0x8FFFFFFF  }
0x99: {  	s19 =	sld [smem:$0x3FDB];
	_ =	sdelay $0x1  }
0x9a: {  	s5 =	simm.s32 $_scs_section_size  }
0x9b: {  	s6 =	simm.s32 $_size__tile_overlayer_lowered;
	s7 =	simm.s32 $_tile_overlayer_lowered  }
0x9c: {  	s22 =	simm.s32 $0x1BFF;
	s21 =	sshll.u32 s7, $0x1;
	s4 =	sadd.s32 s5, s19  }
0x9d: {  	s8 =	simm.s32 $0x0;
	s20 =	sshll.u32 s6, $0x1;
	s6 =	sadd.s32 s21, s4  }
0x9e: {  	[timem:s8], [sflag:s22] =	dma.local [hbm:s6], s20  }
0x9f: {  	_ =	swait.ge [sflag:s22], s20  }
0xa0: {  	s5 =	ssub.s32 $0x0, s20;
	[sflag:s22] =	ssyncset.done $0x0  }
0xa1: {  	[sflag:s22] =	ssyncadd.s32 s5;
	_ =	sdelay $0x1  }
0xa2: {  	s23 =	simm.s32 $0x1B8B  }
0xa3: {  	_ =	swait.ge [sflag:s23], $0x1  }
0xa4: {  	[sflag:s23] =	ssyncset.done $0x0  }
0xa5: {  	s25 =	simm.s32 $0x1B8E;
	s24 =	sld [smem:$0x3FFE];
	[sflag:s23] =	ssyncadd.s32 $0xFFFFFFFF  }
0xa6: {  	s26 =	simm.s32 $execute0_lowered;
	[smem:$0x3FD2] =	sst s25  }
0xa7: {  	s6 =	sshll.u32 s26, $0x1;
	_ =	strace $0x80000046;
	[dreg:$0x1] =	wrdreg $0xFFFFFFFF  }
0xa8: {  	s28 =	simm.s32 $_size_execute0_lowered;
	s4 =	sadd.s32 s4, s6;
	[dreg:$0x0] =	wrdreg $0x0  }
0xa9: {  	s6 =	sshll.u32 s28, $0x1;
	[dreg:$0x2] =	wrdreg s4  }
0xaa: {  	[dreg:$0x3] =	wrdreg s6  }
0xab: {  	[dreg:$0x4] =	wrdreg $0xC0  }
0xac: {  	_ =	task [dreg:s8], $0x5FFFF  }
0xad: {  	[dreg:$0x1] =	wrdreg $0xFFFFFFFF  }
0xae: {  	[dreg:$0x0] =	wrdreg $0x60  }
0xaf: {  	[dreg:$0x2] =	wrdreg s2  }
0xb0: {  	[dreg:$0x3] =	wrdreg s18  }
0xb1: {  	[dreg:$0x4] =	wrdreg s24  }
0xb2: {  	[dreg:$0x5] =	wrdreg $0x9  }
0xb3: {  	_ =	task.clear_ibuf [dreg:s8], $0x6FFFF;
	_ =	strace $0x90000046  }
0xb4: {  	s29 =	simm.s32 $0x9;
	_ =	strace $0x80000048  }
0xb5: {  	_ =	swait.ge [sflag:s29], $0x1  }
0xb6: {  	[sflag:s29] =	ssyncadd.s32 $0xFFFFFFFF  }
0xb7: {  	_ =	strace $0x90000048  }
0xb8: {  	_ =	sfence  }
0xb9: {  	s30 =	sld [smem:$0x0];
	_ =	sdelay $0x2  }
0xba: {  	s31 =	sshll.u32 s1, $0xD;
	s1 =	sshrl.u32 s1, $0x2  }
0xbb: {  	s3 =	sand.u32 $0x4000, s31;
	s1 =	sadd.s32 s1, s30  }
0xbc: {  	s0 =	sor.u32 s3, s0;
	s1 =	sshll.u32 s1, $0x11  }
0xbd: {  	s0 =	sor.u32 s1, s0  }
0xbe: {  	s0 =	sadd.s32 $0x8F2B, s0  }
0xbf: {  	[sflag:s0] =	ssyncadd.remote.s32 $0x1  }
0xc0: {  	_ =	sfence.sel $0xFFFF  }
0xc1: {  	[dreg:$0x0] =	wrdreg $0xFFFFFFFF;
	(pc) =	sbr.abs _section_cstart, $3  }
0xc2: {  	[dreg:$0x1] =	wrdreg $0xFFFFFFFF  }
0xc3: {  	_ =	task.clear_ibuf [dreg:s8], $0x2FFFF;
	_ =	strace $0x9FFFFFFF  }
0xc4: {  	(tm) =	ssettm $0x7FFFFFFF  }
0xc5: {  	_ =	shalt  }
tec
execute0_lowered:
.L_overlay_start_1:
0x0: {  	(tag) =	ssettag $0x1  }
0x1: {  	s13 =	rddreg [dreg:$0x0]  }
0x2: {  	s0 =	srdreg.scid;
	s15 =	rddreg [dreg:$0x1]  }
0x3: {  	s14 =	rddreg [dreg:$0x2];
	s1 =	stileid.u32  }
0x4: {  	s20 =	simm.s32 $0x6000;
	s21 =	simm.s32 $0x1;
	s22 =	simm.s32 $0x2  }
0x5: {  	s23 =	simm.s32 $0x8000;
	s24 =	simm.s32 $0x3;
	s3 =	sand.u32 $0x1, s0  }
0x6: {  	s25 =	simm.s32 $0x8080;
	s26 =	simm.s32 $0x0;
	s2 =	sshll.u32 s3, $0x4  }
0x7: {  	s0 =	rddreg [dreg:$0x3];
	s3 =	ssub.s32 $0x2, s3;
	s12 =	sor.u32 s1, s2  }
0x8: {  	s2 =	simm.s32 $0x0;
	s5 =	sshrl.u32 s3, $0x1;
	s4 =	smul.u32 $0xC000, s12  }
0x9: {  	[smem:$0x7FF] =	sst s2;
	s17 =	ssub.s32 s3, s5;
	s19 =	sshll.u32 s12, $0x5  }
0xa: {  	_ =	strace $0x80000047;
	s14 =	sadd.s32 s14, s19;
	s16 =	sshrl.u32 s4, $0x3  }
0xb: {  	s17 =	smax.u32 s17, $0x1;
	s19 =	simm.s32 $0x2000;
	s3 =	sadd.s32 s13, s16  }
0xc: {  	s4 =	sadd.s32 s15, s16;
	s6 =	sor.u32 $0x400, s16;
	s8 =	sadd.s32 $0x800, s16  }
0xd: {  	s10 =	sadd.s32 $0xC00, s16;
	s18 =	sadd.s32 $0x1000, s16;
	s16 =	sadd.s32 $0x1400, s16  }
0xe: {  	s5 =	sadd.s32 s13, s6;
	s6 =	sadd.s32 s15, s6;
	s7 =	sadd.s32 s13, s8  }
0xf: {  	s8 =	sadd.s32 s15, s8;
	s9 =	sadd.s32 s13, s10;
	s10 =	sadd.s32 s15, s10  }
0x10: {  	s11 =	sadd.s32 s13, s18;
	s12 =	sadd.s32 s15, s18;
	s13 =	sadd.s32 s13, s16  }
0x11: {  	s15 =	sadd.s32 s15, s16;
	s16 =	sadd.s32 $0x10, s14;
	s18 =	simm.s32 $0x4000  }
.LBB2_1:
0x12: {  	[tilespmem:s2], [sflag:$0x1] =	stream.linear.gather [hbm4b:s3+s2], $0x2000, $0x38;
	[tilespmem:$0x8100] =	vst v63  }
0x13: {  	_ = 	snop  }
0x14: {  	[tilespmem:s18], [sflag:$0x1] =	stream.linear.gather [hbm4b:s4+s2], $0x2000, $0x38;
	[tilespmem:$0x8100] =	vst v63  }
0x15: {  	_ = 	snop  }
0x16: {  	[tilespmem:s19], [sflag:$0x2] =	stream.linear.gather [hbm4b:s5+s2], $0x2000, $0x38;
	[tilespmem:$0x8100] =	vst v63  }
0x17: {  	_ = 	snop  }
0x18: {  	[tilespmem:s20], [sflag:$0x2] =	stream.linear.gather [hbm4b:s6+s2], $0x2000, $0x38;
	[tilespmem:$0x8100] =	vst v63  }
0x19: {  	_ =	swait.ge [sflag:s21], $0x2000  }
0x1a: {  	[sflag:s21] =	ssyncset.done $0x0  }
0x1b: {  	[sflag:s21] =	ssyncadd.s32 $0xFFFFE000  }
0x1c: {  	_ =	swait.ge [sflag:s21], $0x2000  }
0x1d: {  	[sflag:s21] =	ssyncset.done $0x0  }
0x1e: {  	s28 =	simm.s32 $0x0;
	[sflag:s21] =	ssyncadd.s32 $0xFFFFE000  }
0x1f: {  	v4 =	vld [tilespmem:s28+$0x4040]  }
0x20: {  	v0 =	vld [tilespmem:s28+$0x4070]  }
0x21: {  	v1 =	vld [tilespmem:s28+$0x70]  }
0x22: {  	v6 =	vld [tilespmem:s28+$0x4050]  }
0x23: {  	v7 =	vld [tilespmem:s28+$0x4020]  }
0x24: {  	v8 =	vld [tilespmem:s28+$0x4000]  }
0x25: {  	v9 =	vld [tilespmem:s28+$0x0]  }
0x26: {  	v3 =	vimm.f32 $-Inf;
	v16 =	vld [tilespmem:s28+$0x40]  }
0x27: {  	v10 =	vimm.f32 $-Inf;
	v11 =	vimm.f32 $-Inf;
	v12 =	vimm.f32 $-Inf  }
0x28: {  	v13 =	vimm.f32 $-Inf;
	v14 =	vimm.f32 $-Inf;
	v15 =	vimm.f32 $-Inf;
	v5 =	vld [tilespmem:s28+$0x4030]  }
0x29: {  	v18 =	vld [tilespmem:s28+$0x50];
	vm0 =	vgt.s32 v0, $0x0;
	v0 =	vmax.f32 v3, v1;
	vm2 =	vgt.s32 v7, $0x0  }
0x2a: {  	v22 =	vld [tilespmem:s28+$0x20];
	vm1 =	vgt.s32 v6, $0x0;
	vm4 =	vgt.s32 v8, $0x0;
	v23 =	vmax.f32 v3, v9  }
0x2b: {  	v19 =	vld [tilespmem:s28+$0x10];
	vm3 =	vgt.s32 v4, $0x0;
	v24 =	vmax.f32 v3, v16;
	v4 =	vimm.f32 $-Inf  }
0x2c: {  	v20 =	vld [tilespmem:s28+$0x4010];
	v6 =	vimm.f32 $-Inf;
	v7 =	vimm.f32 $-Inf;
	v8 =	vimm.f32 $-Inf  }
0x2d: {  	v17 =	vld [tilespmem:s28+$0x60];
	v9 =	vimm.f32 $-Inf;
	v1 =	vsel vm0, v0, v3;
	v2 =	vsel vm0, v3, v0  }
0x2e: {  	s29 =	simm.s32 $0x200;
	v21 =	vld [tilespmem:s28+$0x4060];
	vm0 =	vgt.s32 v5, $0x0;
	v0 =	vsel vm4, v23, v3;
	v5 =	vimm.f32 $-Inf  }
.LBB2_2:
0x2f: {  	p0 =	sne.s32 s29, $0x7E00;
	v3 =	vsel vm4, v3, v23;
	v23 =	vld [tilespmem:s28+$0x30];
	s28 =	sshra.s32 s29, $0x2;
	s29 =	sadd.s32 $0x200, s29;
	v4 =	vsel vm3, v24, v4;
	v16 =	vmax.f32 v5, v16  }
0x30: {  	v25 =	vmax.f32 v6, v22;
	v26 =	vmax.f32 v7, v18;
	v18 =	vmax.f32 v8, v18;
	v24 =	vld [tilespmem:s28+$0x4040]  }
0x31: {  	v22 =	vmax.f32 v9, v22;
	v6 =	vsel vm2, v6, v25;
	v8 =	vsel vm1, v8, v18;
	v27 =	vld [tilespmem:s28+$0x4070]  }
0x32: {  	v25 =	vmax.f32 v10, v19;
	v9 =	vsel vm2, v22, v9;
	v5 =	vsel vm3, v5, v16;
	v18 =	vld [tilespmem:s28+$0x70]  }
0x33: {  	v19 =	vmax.f32 v11, v19;
	vm2 =	vgt.s32 v20, $0x0;
	v20 =	vmax.f32 v12, v17;
	v16 =	vld [tilespmem:s28+$0x40]  }
0x34: {  	v10 =	vsel vm2, v25, v10;
	v11 =	vsel vm2, v11, v19;
	v28 =	vld [tilespmem:s28+$0x4030];
	v19 =	vmax.f32 v13, v23  }
0x35: {  	v7 =	vsel vm1, v26, v7;
	v17 =	vmax.f32 v14, v17;
	vm1 =	vgt.s32 v21, $0x0;
	v25 =	vld [tilespmem:s28+$0x4050]  }
0x36: {  	v22 =	vmax.f32 v15, v23;
	v14 =	vsel vm1, v17, v14;
	v21 =	vld [tilespmem:s28+$0x4020];
	vm2 =	vgt.s32 v27, $0x0  }
0x37: {  	v15 =	vsel vm0, v22, v15;
	v17 =	vld [tilespmem:s28+$0x4000];
	v23 =	vmax.f32 v1, v18;
	v26 =	vmax.f32 v2, v18  }
0x38: {  	v12 =	vsel vm1, v12, v20;
	v13 =	vsel vm0, v13, v19;
	v27 =	vld [tilespmem:s28+$0x0];
	v1 =	vsel vm2, v23, v1  }
0x39: {  	v2 =	vsel vm2, v2, v26;
	v18 =	vld [tilespmem:s28+$0x50]  }
.Ltmp0:
0x3a: {  	v22 =	vld [tilespmem:s28+$0x20];
	(pc) =	sbr.rel @p0 .LBB2_2-.Ltmp0, $4  }
0x3b: {  	v19 =	vld [tilespmem:s28+$0x10]  }
0x3c: {  	vm0 =	vgt.s32 v28, $0x0;
	vm1 =	vgt.s32 v25, $0x0;
	vm2 =	vgt.s32 v21, $0x0;
	v20 =	vld [tilespmem:s28+$0x4010]  }
0x3d: {  	vm4 =	vgt.s32 v17, $0x0;
	v21 =	vmax.f32 v0, v27;
	v23 =	vmax.f32 v3, v27;
	v17 =	vld [tilespmem:s28+$0x60]  }
0x3e: {  	vm3 =	vgt.s32 v24, $0x0;
	v24 =	vmax.f32 v4, v16;
	v0 =	vsel vm4, v21, v0;
	v21 =	vld [tilespmem:s28+$0x4060]  }
0x3f: {  	v25 =	vld [tilespmem:s28+$0x30];
	s28 =	simm.s32 $0x0  }
0x40: {  	[tilespmem:s28], [sflag:$0x1] =	stream.linear.gather [hbm4b:s7+s28], $0x2000, $0x38;
	[tilespmem:$0x8100] =	vst v63  }
0x41: {  	_ = 	snop  }
0x42: {  	[tilespmem:s18], [sflag:$0x1] =	stream.linear.gather [hbm4b:s8+s28], $0x2000, $0x38;
	[tilespmem:$0x8100] =	vst v63  }
0x43: {  	_ =	swait.ge [sflag:s22], $0x2000  }
0x44: {  	[sflag:s22] =	ssyncset.done $0x0  }
0x45: {  	[sflag:s22] =	ssyncadd.s32 $0xFFFFE000  }
0x46: {  	_ =	swait.ge [sflag:s22], $0x2000  }
0x47: {  	[sflag:s22] =	ssyncset.done $0x0  }
0x48: {  	s28 =	simm.s32 $0x0;
	[sflag:s22] =	ssyncadd.s32 $0xFFFFE000  }
0x49: {  	v26 =	vld [tilespmem:s28+$0x6040]  }
0x4a: {  	v3 =	vsel vm4, v3, v23;
	v23 =	vld [tilespmem:s28+$0x6070]  }
0x4b: {  	v4 =	vsel vm3, v24, v4;
	v24 =	vmax.f32 v5, v16;
	v16 =	vmax.f32 v6, v22;
	v27 =	vld [tilespmem:s28+$0x2070]  }
0x4c: {  	v28 =	vmax.f32 v8, v18;
	v22 =	vmax.f32 v9, v22;
	v6 =	vsel vm2, v6, v16;
	v16 =	vld [tilespmem:s28+$0x2040]  }
0x4d: {  	v18 =	vmax.f32 v7, v18;
	v9 =	vsel vm2, v22, v9;
	v8 =	vsel vm1, v8, v28;
	v63 =	vld [tilespmem:s28+$0x6050]  }
0x4e: {  	v5 =	vsel vm3, v5, v24;
	v22 =	vmax.f32 v10, v19;
	v19 =	vmax.f32 v11, v19;
	v29 =	vld [tilespmem:s28+$0x6020]  }
0x4f: {  	v7 =	vsel vm1, v18, v7;
	vm2 =	vgt.s32 v20, $0x0;
	vm1 =	vgt.s32 v21, $0x0;
	v21 =	vld [tilespmem:s28+$0x6000]  }
0x50: {  	v11 =	vsel vm2, v11, v19;
	v19 =	vmax.f32 v13, v25;
	v20 =	vmax.f32 v15, v25;
	v25 =	vld [tilespmem:s28+$0x2000]  }
0x51: {  	v10 =	vsel vm2, v22, v10;
	v18 =	vmax.f32 v14, v17;
	v17 =	vmax.f32 v12, v17;
	v24 =	vld [tilespmem:s28+$0x6030]  }
0x52: {  	v14 =	vsel vm1, v18, v14;
	v12 =	vsel vm1, v12, v17;
	v15 =	vsel vm0, v20, v15;
	v18 =	vld [tilespmem:s28+$0x2050]  }
0x53: {  	v13 =	vsel vm0, v13, v19;
	v22 =	vld [tilespmem:s28+$0x2020];
	vm0 =	vgt.s32 v23, $0x0;
	v19 =	vmax.f32 v1, v27  }
0x54: {  	v17 =	vld [tilespmem:s28+$0x2060];
	v20 =	vmax.f32 v2, v27;
	vm2 =	vgt.s32 v29, $0x0;
	vm1 =	vgt.s32 v63, $0x0  }
0x55: {  	vm4 =	vgt.s32 v21, $0x0;
	v21 =	vmax.f32 v0, v25;
	v1 =	vsel vm0, v19, v1;
	v19 =	vld [tilespmem:s28+$0x2010]  }
0x56: {  	v23 =	vmax.f32 v3, v25;
	vm3 =	vgt.s32 v26, $0x0;
	v2 =	vsel vm0, v2, v20;
	v20 =	vld [tilespmem:s28+$0x6010]  }
0x57: {  	s29 =	simm.s32 $0x200;
	vm0 =	vgt.s32 v24, $0x0;
	v0 =	vsel vm4, v21, v0;
	v24 =	vmax.f32 v4, v16;
	v21 =	vld [tilespmem:s28+$0x6060]  }
.LBB2_4:
0x58: {  	p0 =	sne.s32 s29, $0x7E00;
	v3 =	vsel vm4, v3, v23;
	v23 =	vld [tilespmem:s28+$0x2030];
	s28 =	sshra.s32 s29, $0x2;
	s29 =	sadd.s32 $0x200, s29;
	v4 =	vsel vm3, v24, v4;
	v16 =	vmax.f32 v5, v16  }
0x59: {  	v25 =	vmax.f32 v6, v22;
	v26 =	vmax.f32 v7, v18;
	v18 =	vmax.f32 v8, v18;
	v24 =	vld [tilespmem:s28+$0x6040]  }
0x5a: {  	v22 =	vmax.f32 v9, v22;
	v6 =	vsel vm2, v6, v25;
	v8 =	vsel vm1, v8, v18;
	v27 =	vld [tilespmem:s28+$0x6070]  }
0x5b: {  	v25 =	vmax.f32 v10, v19;
	v9 =	vsel vm2, v22, v9;
	v5 =	vsel vm3, v5, v16;
	v18 =	vld [tilespmem:s28+$0x2070]  }
0x5c: {  	v19 =	vmax.f32 v11, v19;
	vm2 =	vgt.s32 v20, $0x0;
	v20 =	vmax.f32 v12, v17;
	v16 =	vld [tilespmem:s28+$0x2040]  }
0x5d: {  	v10 =	vsel vm2, v25, v10;
	v11 =	vsel vm2, v11, v19;
	v28 =	vld [tilespmem:s28+$0x6030];
	v19 =	vmax.f32 v13, v23  }
0x5e: {  	v7 =	vsel vm1, v26, v7;
	v17 =	vmax.f32 v14, v17;
	vm1 =	vgt.s32 v21, $0x0;
	v25 =	vld [tilespmem:s28+$0x6050]  }
0x5f: {  	v22 =	vmax.f32 v15, v23;
	v14 =	vsel vm1, v17, v14;
	v21 =	vld [tilespmem:s28+$0x6020];
	vm2 =	vgt.s32 v27, $0x0  }
0x60: {  	v15 =	vsel vm0, v22, v15;
	v17 =	vld [tilespmem:s28+$0x6000];
	v23 =	vmax.f32 v1, v18;
	v26 =	vmax.f32 v2, v18  }
0x61: {  	v12 =	vsel vm1, v12, v20;
	v13 =	vsel vm0, v13, v19;
	v27 =	vld [tilespmem:s28+$0x2000];
	v1 =	vsel vm2, v23, v1  }
0x62: {  	v2 =	vsel vm2, v2, v26;
	v18 =	vld [tilespmem:s28+$0x2050]  }
.Ltmp1:
0x63: {  	v22 =	vld [tilespmem:s28+$0x2020];
	(pc) =	sbr.rel @p0 .LBB2_4-.Ltmp1, $4  }
0x64: {  	v19 =	vld [tilespmem:s28+$0x2010]  }
0x65: {  	vm0 =	vgt.s32 v28, $0x0;
	vm1 =	vgt.s32 v25, $0x0;
	vm2 =	vgt.s32 v21, $0x0;
	v20 =	vld [tilespmem:s28+$0x6010]  }
0x66: {  	vm4 =	vgt.s32 v17, $0x0;
	v21 =	vmax.f32 v0, v27;
	v23 =	vmax.f32 v3, v27;
	v17 =	vld [tilespmem:s28+$0x2060]  }
0x67: {  	vm3 =	vgt.s32 v24, $0x0;
	v24 =	vmax.f32 v4, v16;
	v0 =	vsel vm4, v21, v0;
	v21 =	vld [tilespmem:s28+$0x6060]  }
0x68: {  	v25 =	vld [tilespmem:s28+$0x2030];
	s28 =	simm.s32 $0x0  }
0x69: {  	[tilespmem:s19], [sflag:$0x2] =	stream.linear.gather [hbm4b:s9+s28], $0x2000, $0x38;
	[tilespmem:$0x8100] =	vst v63  }
0x6a: {  	_ = 	snop  }
0x6b: {  	[tilespmem:s20], [sflag:$0x2] =	stream.linear.gather [hbm4b:s10+s28], $0x2000, $0x38;
	[tilespmem:$0x8100] =	vst v63  }
0x6c: {  	_ =	swait.ge [sflag:s21], $0x2000  }
0x6d: {  	[sflag:s21] =	ssyncset.done $0x0  }
0x6e: {  	[sflag:s21] =	ssyncadd.s32 $0xFFFFE000  }
0x6f: {  	_ =	swait.ge [sflag:s21], $0x2000  }
0x70: {  	[sflag:s21] =	ssyncset.done $0x0  }
0x71: {  	s28 =	simm.s32 $0x0;
	[sflag:s21] =	ssyncadd.s32 $0xFFFFE000  }
0x72: {  	v26 =	vld [tilespmem:s28+$0x4040]  }
0x73: {  	v3 =	vsel vm4, v3, v23;
	v23 =	vld [tilespmem:s28+$0x4070]  }
0x74: {  	v4 =	vsel vm3, v24, v4;
	v24 =	vmax.f32 v5, v16;
	v16 =	vmax.f32 v6, v22;
	v27 =	vld [tilespmem:s28+$0x70]  }
0x75: {  	v28 =	vmax.f32 v8, v18;
	v22 =	vmax.f32 v9, v22;
	v6 =	vsel vm2, v6, v16;
	v16 =	vld [tilespmem:s28+$0x40]  }
0x76: {  	v18 =	vmax.f32 v7, v18;
	v9 =	vsel vm2, v22, v9;
	v8 =	vsel vm1, v8, v28;
	v63 =	vld [tilespmem:s28+$0x4050]  }
0x77: {  	v5 =	vsel vm3, v5, v24;
	v22 =	vmax.f32 v10, v19;
	v19 =	vmax.f32 v11, v19;
	v29 =	vld [tilespmem:s28+$0x4020]  }
0x78: {  	v7 =	vsel vm1, v18, v7;
	vm2 =	vgt.s32 v20, $0x0;
	vm1 =	vgt.s32 v21, $0x0;
	v21 =	vld [tilespmem:s28+$0x4000]  }
0x79: {  	v11 =	vsel vm2, v11, v19;
	v19 =	vmax.f32 v13, v25;
	v20 =	vmax.f32 v15, v25;
	v25 =	vld [tilespmem:s28+$0x0]  }
0x7a: {  	v10 =	vsel vm2, v22, v10;
	v18 =	vmax.f32 v14, v17;
	v17 =	vmax.f32 v12, v17;
	v24 =	vld [tilespmem:s28+$0x4030]  }
0x7b: {  	v14 =	vsel vm1, v18, v14;
	v12 =	vsel vm1, v12, v17;
	v15 =	vsel vm0, v20, v15;
	v18 =	vld [tilespmem:s28+$0x50]  }
0x7c: {  	v13 =	vsel vm0, v13, v19;
	v22 =	vld [tilespmem:s28+$0x20];
	vm0 =	vgt.s32 v23, $0x0;
	v19 =	vmax.f32 v1, v27  }
0x7d: {  	v17 =	vld [tilespmem:s28+$0x60];
	v20 =	vmax.f32 v2, v27;
	vm2 =	vgt.s32 v29, $0x0;
	vm1 =	vgt.s32 v63, $0x0  }
0x7e: {  	vm4 =	vgt.s32 v21, $0x0;
	v21 =	vmax.f32 v0, v25;
	v1 =	vsel vm0, v19, v1;
	v19 =	vld [tilespmem:s28+$0x10]  }
0x7f: {  	v23 =	vmax.f32 v3, v25;
	vm3 =	vgt.s32 v26, $0x0;
	v2 =	vsel vm0, v2, v20;
	v20 =	vld [tilespmem:s28+$0x4010]  }
0x80: {  	s29 =	simm.s32 $0x200;
	vm0 =	vgt.s32 v24, $0x0;
	v0 =	vsel vm4, v21, v0;
	v24 =	vmax.f32 v4, v16;
	v21 =	vld [tilespmem:s28+$0x4060]  }
.LBB2_6:
0x81: {  	p0 =	sne.s32 s29, $0x7E00;
	v3 =	vsel vm4, v3, v23;
	v23 =	vld [tilespmem:s28+$0x30];
	s28 =	sshra.s32 s29, $0x2;
	s29 =	sadd.s32 $0x200, s29;
	v4 =	vsel vm3, v24, v4;
	v16 =	vmax.f32 v5, v16  }
0x82: {  	v25 =	vmax.f32 v6, v22;
	v26 =	vmax.f32 v7, v18;
	v18 =	vmax.f32 v8, v18;
	v24 =	vld [tilespmem:s28+$0x4040]  }
0x83: {  	v22 =	vmax.f32 v9, v22;
	v6 =	vsel vm2, v6, v25;
	v8 =	vsel vm1, v8, v18;
	v27 =	vld [tilespmem:s28+$0x4070]  }
0x84: {  	v25 =	vmax.f32 v10, v19;
	v9 =	vsel vm2, v22, v9;
	v5 =	vsel vm3, v5, v16;
	v18 =	vld [tilespmem:s28+$0x70]  }
0x85: {  	v19 =	vmax.f32 v11, v19;
	vm2 =	vgt.s32 v20, $0x0;
	v20 =	vmax.f32 v12, v17;
	v16 =	vld [tilespmem:s28+$0x40]  }
0x86: {  	v10 =	vsel vm2, v25, v10;
	v11 =	vsel vm2, v11, v19;
	v28 =	vld [tilespmem:s28+$0x4030];
	v19 =	vmax.f32 v13, v23  }
0x87: {  	v7 =	vsel vm1, v26, v7;
	v17 =	vmax.f32 v14, v17;
	vm1 =	vgt.s32 v21, $0x0;
	v25 =	vld [tilespmem:s28+$0x4050]  }
0x88: {  	v22 =	vmax.f32 v15, v23;
	v14 =	vsel vm1, v17, v14;
	v21 =	vld [tilespmem:s28+$0x4020];
	vm2 =	vgt.s32 v27, $0x0  }
0x89: {  	v15 =	vsel vm0, v22, v15;
	v17 =	vld [tilespmem:s28+$0x4000];
	v23 =	vmax.f32 v1, v18;
	v26 =	vmax.f32 v2, v18  }
0x8a: {  	v12 =	vsel vm1, v12, v20;
	v13 =	vsel vm0, v13, v19;
	v27 =	vld [tilespmem:s28+$0x0];
	v1 =	vsel vm2, v23, v1  }
0x8b: {  	v2 =	vsel vm2, v2, v26;
	v18 =	vld [tilespmem:s28+$0x50]  }
.Ltmp2:
0x8c: {  	v22 =	vld [tilespmem:s28+$0x20];
	(pc) =	sbr.rel @p0 .LBB2_6-.Ltmp2, $4  }
0x8d: {  	v19 =	vld [tilespmem:s28+$0x10]  }
0x8e: {  	vm0 =	vgt.s32 v28, $0x0;
	vm1 =	vgt.s32 v25, $0x0;
	vm2 =	vgt.s32 v21, $0x0;
	v20 =	vld [tilespmem:s28+$0x4010]  }
0x8f: {  	vm4 =	vgt.s32 v17, $0x0;
	v21 =	vmax.f32 v0, v27;
	v23 =	vmax.f32 v3, v27;
	v17 =	vld [tilespmem:s28+$0x60]  }
0x90: {  	vm3 =	vgt.s32 v24, $0x0;
	v24 =	vmax.f32 v4, v16;
	v0 =	vsel vm4, v21, v0;
	v21 =	vld [tilespmem:s28+$0x4060]  }
0x91: {  	v25 =	vld [tilespmem:s28+$0x30];
	s28 =	simm.s32 $0x0  }
0x92: {  	[tilespmem:s28], [sflag:$0x1] =	stream.linear.gather [hbm4b:s11+s28], $0x2000, $0x38;
	[tilespmem:$0x8100] =	vst v63  }
0x93: {  	_ = 	snop  }
0x94: {  	[tilespmem:s18], [sflag:$0x1] =	stream.linear.gather [hbm4b:s12+s28], $0x2000, $0x38;
	[tilespmem:$0x8100] =	vst v63  }
0x95: {  	_ =	swait.ge [sflag:s22], $0x2000  }
0x96: {  	[sflag:s22] =	ssyncset.done $0x0  }
0x97: {  	[sflag:s22] =	ssyncadd.s32 $0xFFFFE000  }
0x98: {  	_ =	swait.ge [sflag:s22], $0x2000  }
0x99: {  	[sflag:s22] =	ssyncset.done $0x0  }
0x9a: {  	s28 =	simm.s32 $0x0;
	[sflag:s22] =	ssyncadd.s32 $0xFFFFE000  }
0x9b: {  	v26 =	vld [tilespmem:s28+$0x6040]  }
0x9c: {  	v3 =	vsel vm4, v3, v23;
	v4 =	vsel vm3, v24, v4;
	v23 =	vld [tilespmem:s28+$0x6070]  }
0x9d: {  	v24 =	vmax.f32 v5, v16;
	v16 =	vmax.f32 v6, v22;
	v22 =	vmax.f32 v9, v22;
	v27 =	vld [tilespmem:s28+$0x2070]  }
0x9e: {  	v6 =	vsel vm2, v6, v16;
	v9 =	vsel vm2, v22, v9;
	v16 =	vld [tilespmem:s28+$0x2040]  }
0x9f: {  	v5 =	vsel vm3, v5, v24;
	v24 =	vmax.f32 v10, v19;
	vm2 =	vgt.s32 v20, $0x0;
	v63 =	vld [tilespmem:s28+$0x6050]  }
0xa0: {  	v28 =	vmax.f32 v8, v18;
	v18 =	vmax.f32 v7, v18;
	v10 =	vsel vm2, v24, v10;
	v24 =	vld [tilespmem:s28+$0x6020]  }
0xa1: {  	v8 =	vsel vm1, v8, v28;
	v19 =	vmax.f32 v11, v19;
	v7 =	vsel vm1, v18, v7;
	v29 =	vld [tilespmem:s28+$0x6000]  }
0xa2: {  	v11 =	vsel vm2, v11, v19;
	v19 =	vmax.f32 v13, v25;
	v20 =	vmax.f32 v15, v25;
	v25 =	vld [tilespmem:s28+$0x2000]  }
0xa3: {  	v18 =	vmax.f32 v14, v17;
	v17 =	vmax.f32 v12, v17;
	vm1 =	vgt.s32 v21, $0x0;
	v22 =	vld [tilespmem:s28+$0x6030]  }
0xa4: {  	v14 =	vsel vm1, v18, v14;
	v12 =	vsel vm1, v12, v17;
	v13 =	vsel vm0, v13, v19;
	v19 =	vld [tilespmem:s28+$0x2050]  }
0xa5: {  	v15 =	vsel vm0, v20, v15;
	v18 =	vld [tilespmem:s28+$0x2020];
	vm0 =	vgt.s32 v23, $0x0;
	v20 =	vmax.f32 v1, v27  }
0xa6: {  	v17 =	vld [tilespmem:s28+$0x2060];
	v21 =	vmax.f32 v2, v27;
	vm2 =	vgt.s32 v24, $0x0;
	vm1 =	vgt.s32 v63, $0x0  }
0xa7: {  	vm4 =	vgt.s32 v29, $0x0;
	v23 =	vmax.f32 v3, v25;
	v1 =	vsel vm0, v20, v1;
	v20 =	vld [tilespmem:s28+$0x2010]  }
0xa8: {  	v2 =	vsel vm0, v2, v21;
	v21 =	vld [tilespmem:s28+$0x6010];
	vm0 =	vgt.s32 v22, $0x0;
	v22 =	vmax.f32 v0, v25  }
0xa9: {  	s29 =	simm.s32 $0x200;
	vm3 =	vgt.s32 v26, $0x0;
	v24 =	vmax.f32 v4, v16;
	v0 =	vsel vm4, v22, v0;
	v22 =	vld [tilespmem:s28+$0x6060]  }
.LBB2_8:
0xaa: {  	p0 =	sne.s32 s29, $0x7E00;
	v3 =	vsel vm4, v3, v23;
	v23 =	vld [tilespmem:s28+$0x2030];
	s28 =	sshra.s32 s29, $0x2;
	s29 =	sadd.s32 $0x200, s29;
	v4 =	vsel vm3, v24, v4;
	v16 =	vmax.f32 v5, v16  }
0xab: {  	v25 =	vmax.f32 v6, v18;
	v26 =	vmax.f32 v7, v19;
	v19 =	vmax.f32 v8, v19;
	v24 =	vld [tilespmem:s28+$0x6040]  }
0xac: {  	v18 =	vmax.f32 v9, v18;
	v6 =	vsel vm2, v6, v25;
	v8 =	vsel vm1, v8, v19;
	v27 =	vld [tilespmem:s28+$0x6070]  }
0xad: {  	v25 =	vmax.f32 v10, v20;
	v9 =	vsel vm2, v18, v9;
	v5 =	vsel vm3, v5, v16;
	v19 =	vld [tilespmem:s28+$0x2070]  }
0xae: {  	v18 =	vmax.f32 v11, v20;
	vm2 =	vgt.s32 v21, $0x0;
	v20 =	vmax.f32 v12, v17;
	v16 =	vld [tilespmem:s28+$0x2040]  }
0xaf: {  	v10 =	vsel vm2, v25, v10;
	v11 =	vsel vm2, v11, v18;
	v28 =	vld [tilespmem:s28+$0x6030];
	v18 =	vmax.f32 v13, v23  }
0xb0: {  	v7 =	vsel vm1, v26, v7;
	v17 =	vmax.f32 v14, v17;
	vm1 =	vgt.s32 v22, $0x0;
	v25 =	vld [tilespmem:s28+$0x6050]  }
0xb1: {  	v21 =	vmax.f32 v15, v23;
	v14 =	vsel vm1, v17, v14;
	v22 =	vld [tilespmem:s28+$0x6020];
	vm2 =	vgt.s32 v27, $0x0  }
0xb2: {  	v15 =	vsel vm0, v21, v15;
	v17 =	vld [tilespmem:s28+$0x6000];
	v23 =	vmax.f32 v1, v19;
	v26 =	vmax.f32 v2, v19  }
0xb3: {  	v12 =	vsel vm1, v12, v20;
	v13 =	vsel vm0, v13, v18;
	v27 =	vld [tilespmem:s28+$0x2000];
	v1 =	vsel vm2, v23, v1  }
0xb4: {  	v2 =	vsel vm2, v2, v26;
	v19 =	vld [tilespmem:s28+$0x2050]  }
.Ltmp3:
0xb5: {  	v18 =	vld [tilespmem:s28+$0x2020];
	(pc) =	sbr.rel @p0 .LBB2_8-.Ltmp3, $4  }
0xb6: {  	v20 =	vld [tilespmem:s28+$0x2010]  }
0xb7: {  	vm0 =	vgt.s32 v28, $0x0;
	vm1 =	vgt.s32 v25, $0x0;
	vm2 =	vgt.s32 v22, $0x0;
	v21 =	vld [tilespmem:s28+$0x6010]  }
0xb8: {  	vm4 =	vgt.s32 v17, $0x0;
	v22 =	vmax.f32 v0, v27;
	v23 =	vmax.f32 v3, v27;
	v17 =	vld [tilespmem:s28+$0x2060]  }
0xb9: {  	vm3 =	vgt.s32 v24, $0x0;
	v24 =	vmax.f32 v4, v16;
	v0 =	vsel vm4, v22, v0;
	v22 =	vld [tilespmem:s28+$0x6060]  }
0xba: {  	v25 =	vld [tilespmem:s28+$0x2030];
	s28 =	simm.s32 $0x0  }
0xbb: {  	[tilespmem:s19], [sflag:$0x2] =	stream.linear.gather [hbm4b:s13+s28], $0x2000, $0x38;
	[tilespmem:$0x8100] =	vst v63  }
0xbc: {  	_ = 	snop  }
0xbd: {  	[tilespmem:s20], [sflag:$0x2] =	stream.linear.gather [hbm4b:s15+s28], $0x2000, $0x38;
	[tilespmem:$0x8100] =	vst v63  }
0xbe: {  	_ =	swait.ge [sflag:s21], $0x2000  }
0xbf: {  	[sflag:s21] =	ssyncset.done $0x0  }
0xc0: {  	[sflag:s21] =	ssyncadd.s32 $0xFFFFE000  }
0xc1: {  	_ =	swait.ge [sflag:s21], $0x2000  }
0xc2: {  	[sflag:s21] =	ssyncset.done $0x0  }
0xc3: {  	s28 =	simm.s32 $0x0;
	[sflag:s21] =	ssyncadd.s32 $0xFFFFE000  }
0xc4: {  	v26 =	vld [tilespmem:s28+$0x4040]  }
0xc5: {  	v3 =	vsel vm4, v3, v23;
	v23 =	vld [tilespmem:s28+$0x4070]  }
0xc6: {  	v4 =	vsel vm3, v24, v4;
	v16 =	vmax.f32 v5, v16;
	v24 =	vmax.f32 v6, v18;
	v27 =	vld [tilespmem:s28+$0x70]  }
0xc7: {  	v28 =	vmax.f32 v8, v19;
	v29 =	vmax.f32 v9, v18;
	v19 =	vmax.f32 v7, v19;
	v18 =	vld [tilespmem:s28+$0x40]  }
0xc8: {  	v6 =	vsel vm2, v6, v24;
	v9 =	vsel vm2, v29, v9;
	v8 =	vsel vm1, v8, v28;
	v62 =	vld [tilespmem:s28+$0x4050]  }
0xc9: {  	v5 =	vsel vm3, v5, v16;
	v24 =	vmax.f32 v10, v20;
	v7 =	vsel vm1, v19, v7;
	v63 =	vld [tilespmem:s28+$0x4020]  }
0xca: {  	vm2 =	vgt.s32 v21, $0x0;
	v19 =	vmax.f32 v14, v17;
	vm1 =	vgt.s32 v22, $0x0;
	v30 =	vld [tilespmem:s28+$0x4000]  }
0xcb: {  	v20 =	vmax.f32 v11, v20;
	v10 =	vsel vm2, v24, v10;
	v14 =	vsel vm1, v19, v14;
	v19 =	vld [tilespmem:s28+$0x0]  }
0xcc: {  	v11 =	vsel vm2, v11, v20;
	v17 =	vmax.f32 v12, v17;
	v20 =	vmax.f32 v13, v25;
	v16 =	vld [tilespmem:s28+$0x4030]  }
0xcd: {  	v21 =	vmax.f32 v15, v25;
	v12 =	vsel vm1, v12, v17;
	v13 =	vsel vm0, v13, v20;
	v20 =	vld [tilespmem:s28+$0x50]  }
0xce: {  	v15 =	vsel vm0, v21, v15;
	v24 =	vld [tilespmem:s28+$0x20];
	vm0 =	vgt.s32 v23, $0x0;
	v21 =	vmax.f32 v1, v27  }
0xcf: {  	v22 =	vmax.f32 v2, v27;
	vm2 =	vgt.s32 v63, $0x0;
	vm1 =	vgt.s32 v62, $0x0;
	v23 =	vld [tilespmem:s28+$0x4060]  }
0xd0: {  	vm4 =	vgt.s32 v30, $0x0;
	v17 =	vmax.f32 v0, v19;
	v1 =	vsel vm0, v21, v1;
	v21 =	vld [tilespmem:s28+$0x10]  }
0xd1: {  	vm3 =	vgt.s32 v26, $0x0;
	v2 =	vsel vm0, v2, v22;
	v22 =	vld [tilespmem:s28+$0x4010];
	vm0 =	vgt.s32 v16, $0x0  }
0xd2: {  	s29 =	simm.s32 $0x200;
	v16 =	vmax.f32 v3, v19;
	v19 =	vld [tilespmem:s28+$0x60];
	v0 =	vsel vm4, v17, v0;
	v17 =	vmax.f32 v4, v18  }
.LBB2_10:
0xd3: {  	p0 =	sne.s32 s29, $0x7E00;
	v3 =	vsel vm4, v3, v16;
	v16 =	vld [tilespmem:s28+$0x30];
	s28 =	sshra.s32 s29, $0x2;
	s29 =	sadd.s32 $0x200, s29;
	v4 =	vsel vm3, v17, v4;
	v17 =	vmax.f32 v5, v18  }
0xd4: {  	v18 =	vmax.f32 v6, v24;
	v26 =	vmax.f32 v7, v20;
	v20 =	vmax.f32 v8, v20;
	v25 =	vld [tilespmem:s28+$0x4040]  }
0xd5: {  	v24 =	vmax.f32 v9, v24;
	v6 =	vsel vm2, v6, v18;
	v8 =	vsel vm1, v8, v20;
	v27 =	vld [tilespmem:s28+$0x4070]  }
0xd6: {  	v28 =	vmax.f32 v10, v21;
	v9 =	vsel vm2, v24, v9;
	v5 =	vsel vm3, v5, v17;
	v20 =	vld [tilespmem:s28+$0x70]  }
0xd7: {  	v17 =	vmax.f32 v11, v21;
	vm2 =	vgt.s32 v22, $0x0;
	v21 =	vmax.f32 v12, v19;
	v18 =	vld [tilespmem:s28+$0x40]  }
0xd8: {  	v10 =	vsel vm2, v28, v10;
	v11 =	vsel vm2, v11, v17;
	v29 =	vld [tilespmem:s28+$0x4030];
	v17 =	vmax.f32 v13, v16  }
0xd9: {  	v7 =	vsel vm1, v26, v7;
	v19 =	vmax.f32 v14, v19;
	vm1 =	vgt.s32 v23, $0x0;
	v28 =	vld [tilespmem:s28+$0x4050]  }
0xda: {  	v16 =	vmax.f32 v15, v16;
	v14 =	vsel vm1, v19, v14;
	v23 =	vld [tilespmem:s28+$0x4020];
	vm2 =	vgt.s32 v27, $0x0  }
0xdb: {  	v15 =	vsel vm0, v16, v15;
	v19 =	vld [tilespmem:s28+$0x4000];
	v22 =	vmax.f32 v1, v20;
	v24 =	vmax.f32 v2, v20  }
0xdc: {  	v12 =	vsel vm1, v12, v21;
	v13 =	vsel vm0, v13, v17;
	v16 =	vld [tilespmem:s28+$0x0];
	v1 =	vsel vm2, v22, v1  }
0xdd: {  	v2 =	vsel vm2, v2, v24;
	v20 =	vld [tilespmem:s28+$0x50]  }
.Ltmp4:
0xde: {  	v24 =	vld [tilespmem:s28+$0x20];
	(pc) =	sbr.rel @p0 .LBB2_10-.Ltmp4, $4  }
0xdf: {  	v21 =	vld [tilespmem:s28+$0x10]  }
0xe0: {  	vm0 =	vgt.s32 v29, $0x0;
	vm1 =	vgt.s32 v28, $0x0;
	vm2 =	vgt.s32 v23, $0x0;
	v22 =	vld [tilespmem:s28+$0x4010]  }
0xe1: {  	vm4 =	vgt.s32 v19, $0x0;
	v17 =	vmax.f32 v0, v16;
	v16 =	vmax.f32 v3, v16;
	v19 =	vld [tilespmem:s28+$0x60]  }
0xe2: {  	vm3 =	vgt.s32 v25, $0x0;
	v0 =	vsel vm4, v17, v0;
	v17 =	vmax.f32 v4, v18;
	v23 =	vld [tilespmem:s28+$0x4060]  }
0xe3: {  	v25 =	vld [tilespmem:s28+$0x30];
	_ =	swait.ge [sflag:s22], $0x2000  }
0xe4: {  	[sflag:s22] =	ssyncset.done $0x0  }
0xe5: {  	[sflag:s22] =	ssyncadd.s32 $0xFFFFE000  }
0xe6: {  	_ =	swait.ge [sflag:s22], $0x2000  }
0xe7: {  	[sflag:s22] =	ssyncset.done $0x0  }
0xe8: {  	s28 =	simm.s32 $0x0;
	[sflag:s22] =	ssyncadd.s32 $0xFFFFE000  }
0xe9: {  	v26 =	vld [tilespmem:s28+$0x6040]  }
0xea: {  	v16 =	vsel vm4, v3, v16;
	v17 =	vsel vm3, v17, v4;
	v27 =	vld [tilespmem:s28+$0x6070]  }
0xeb: {  	v3 =	vmax.f32 v5, v18;
	v4 =	vmax.f32 v6, v24;
	v24 =	vmax.f32 v9, v24;
	v28 =	vld [tilespmem:s28+$0x2070]  }
0xec: {  	v29 =	vmax.f32 v8, v20;
	v6 =	vsel vm2, v6, v4;
	v4 =	vsel vm2, v24, v9;
	v18 =	vld [tilespmem:s28+$0x2040]  }
0xed: {  	v5 =	vsel vm3, v5, v3;
	v3 =	vmax.f32 v10, v21;
	vm2 =	vgt.s32 v22, $0x0;
	v22 =	vld [tilespmem:s28+$0x6050]  }
0xee: {  	v8 =	vsel vm1, v8, v29;
	v9 =	vsel vm2, v3, v10;
	v3 =	vmax.f32 v7, v20;
	v63 =	vld [tilespmem:s28+$0x6020]  }
0xef: {  	v21 =	vmax.f32 v11, v21;
	v7 =	vsel vm1, v3, v7;
	vm1 =	vgt.s32 v23, $0x0;
	v23 =	vld [tilespmem:s28+$0x6000]  }
0xf0: {  	v10 =	vsel vm2, v11, v21;
	v11 =	vmax.f32 v13, v25;
	v20 =	vmax.f32 v15, v25;
	v25 =	vld [tilespmem:s28+$0x2000]  }
0xf1: {  	v3 =	vmax.f32 v14, v19;
	v19 =	vmax.f32 v12, v19;
	v24 =	vld [tilespmem:s28+$0x6030]  }
0xf2: {  	v3 =	vsel vm1, v3, v14;
	v14 =	vsel vm0, v20, v15;
	v13 =	vsel vm0, v13, v11;
	v20 =	vld [tilespmem:s28+$0x2050]  }
0xf3: {  	v21 =	vld [tilespmem:s28+$0x2020];
	v11 =	vsel vm1, v12, v19;
	vm0 =	vgt.s32 v27, $0x0;
	v15 =	vmax.f32 v1, v28  }
0xf4: {  	v19 =	vld [tilespmem:s28+$0x6010];
	v27 =	vmax.f32 v2, v28;
	vm2 =	vgt.s32 v63, $0x0;
	vm1 =	vgt.s32 v22, $0x0  }
0xf5: {  	v12 =	vld [tilespmem:s28+$0x2060];
	vm4 =	vgt.s32 v23, $0x0;
	v22 =	vmax.f32 v0, v25;
	v23 =	vmax.f32 v16, v25  }
0xf6: {  	vm3 =	vgt.s32 v26, $0x0;
	v1 =	vsel vm0, v15, v1;
	v2 =	vsel vm0, v2, v27;
	v15 =	vld [tilespmem:s28+$0x2010]  }
0xf7: {  	s29 =	simm.s32 $0x200;
	vm0 =	vgt.s32 v24, $0x0;
	v0 =	vsel vm4, v22, v0;
	v24 =	vmax.f32 v17, v18;
	v22 =	vld [tilespmem:s28+$0x6060]  }
.LBB2_12:
0xf8: {  	p0 =	sne.s32 s29, $0x7E00;
	v16 =	vsel vm4, v16, v23;
	v23 =	vld [tilespmem:s28+$0x2030];
	s28 =	sshra.s32 s29, $0x2;
	s29 =	sadd.s32 $0x200, s29;
	v17 =	vsel vm3, v24, v17;
	v18 =	vmax.f32 v5, v18  }
0xf9: {  	v25 =	vmax.f32 v6, v21;
	v26 =	vmax.f32 v7, v20;
	v20 =	vmax.f32 v8, v20;
	v24 =	vld [tilespmem:s28+$0x6040]  }
0xfa: {  	v21 =	vmax.f32 v4, v21;
	v6 =	vsel vm2, v6, v25;
	v8 =	vsel vm1, v8, v20;
	v27 =	vld [tilespmem:s28+$0x6070]  }
0xfb: {  	v25 =	vmax.f32 v9, v15;
	v4 =	vsel vm2, v21, v4;
	v5 =	vsel vm3, v5, v18;
	v20 =	vld [tilespmem:s28+$0x2070]  }
0xfc: {  	v15 =	vmax.f32 v10, v15;
	vm2 =	vgt.s32 v19, $0x0;
	v19 =	vmax.f32 v11, v12;
	v18 =	vld [tilespmem:s28+$0x2040]  }
0xfd: {  	v9 =	vsel vm2, v25, v9;
	v10 =	vsel vm2, v10, v15;
	v28 =	vld [tilespmem:s28+$0x6030];
	v15 =	vmax.f32 v13, v23  }
0xfe: {  	v7 =	vsel vm1, v26, v7;
	v12 =	vmax.f32 v3, v12;
	vm1 =	vgt.s32 v22, $0x0;
	v25 =	vld [tilespmem:s28+$0x6050]  }
0xff: {  	v21 =	vmax.f32 v14, v23;
	v3 =	vsel vm1, v12, v3;
	v22 =	vld [tilespmem:s28+$0x6020];
	vm2 =	vgt.s32 v27, $0x0  }
0x100: {  	v14 =	vsel vm0, v21, v14;
	v12 =	vld [tilespmem:s28+$0x6000];
	v23 =	vmax.f32 v1, v20;
	v26 =	vmax.f32 v2, v20  }
0x101: {  	v11 =	vsel vm1, v11, v19;
	v13 =	vsel vm0, v13, v15;
	v27 =	vld [tilespmem:s28+$0x2000];
	v1 =	vsel vm2, v23, v1  }
0x102: {  	v2 =	vsel vm2, v2, v26;
	v20 =	vld [tilespmem:s28+$0x2050]  }
.Ltmp5:
0x103: {  	v21 =	vld [tilespmem:s28+$0x2020];
	(pc) =	sbr.rel @p0 .LBB2_12-.Ltmp5, $4  }
0x104: {  	v15 =	vld [tilespmem:s28+$0x2010]  }
0x105: {  	vm0 =	vgt.s32 v28, $0x0;
	vm1 =	vgt.s32 v25, $0x0;
	vm2 =	vgt.s32 v22, $0x0;
	v19 =	vld [tilespmem:s28+$0x6010]  }
0x106: {  	vm4 =	vgt.s32 v12, $0x0;
	v22 =	vmax.f32 v0, v27;
	v23 =	vmax.f32 v16, v27;
	v12 =	vld [tilespmem:s28+$0x2060]  }
0x107: {  	vm3 =	vgt.s32 v24, $0x0;
	v24 =	vmax.f32 v17, v18;
	v0 =	vsel vm4, v22, v0;
	v22 =	vld [tilespmem:s28+$0x6060]  }
0x108: {  	v16 =	vsel vm4, v16, v23  }
0x109: {  	v17 =	vsel vm3, v24, v17;
	v18 =	vmax.f32 v5, v18;
	v50 =	vmax.f32 v6, v21  }
0x10a: {  	v49 =	vld [tilespmem:s28+$0x2030];
	v25 =	vmax.f32 v7, v20;
	v51 =	vmax.f32 v8, v20;
	v52 =	vmax.f32 v4, v21  }
0x10b: {  	v6 =	vsel vm2, v6, v50;
	v8 =	vsel vm1, v8, v51;
	v53 =	vmax.f32 v9, v15  }
0x10c: {  	v4 =	vsel vm2, v52, v4;
	v5 =	vsel vm3, v5, v18;
	v54 =	vmax.f32 v10, v15  }
0x10d: {  	v7 =	vsel vm1, v25, v7;
	vm14 =	vgt.s32 v19, $0x0;
	v55 =	vmax.f32 v11, v12  }
0x10e: {  	v9 =	vsel vm14, v53, v9;
	v10 =	vsel vm14, v10, v54;
	v60 =	vmax.f32 v3, v12  }
0x10f: {  	v0 =	vmax.f32 v0, v9;
	v10 =	vmax.f32 v16, v10;
	v57 =	vmax.f32 v14, v49  }
0x110: {  	v56 =	vmax.f32 v13, v49;
	v0 =	vmax.f32 v0, v4;
	v58 =	vsel vm0, v57, v14  }
0x111: {  	v6 =	vmax.f32 v10, v6;
	v59 =	vsel vm0, v13, v56;
	v0 =	vmax.f32 v0, v58  }
0x112: {  	vm15 =	vgt.s32 v22, $0x0;
	v4 =	vmax.f32 v6, v59;
	v0 =	vmax.f32 v0, v17  }
0x113: {  	v3 =	vsel vm15, v60, v3;
	v4 =	vmax.f32 v4, v5;
	v0 =	vmax.f32 v0, v7  }
0x114: {  	v61 =	vsel vm15, v11, v55;
	v4 =	vmax.f32 v4, v8;
	v0 =	vmax.f32 v0, v3  }
0x115: {  	v62 =	vmax.f32 v4, v61;
	v0 =	vmax.f32 v0, v1  }
0x116: {  	v63 =	vmax.f32 v62, v2;
	[tilespmem:$0x8000] =	vst v0  }
0x117: {  	[tilespmem:$0x8080] =	vst v63  }
0x118: {  	[hbm4b:s14+s2] =	stream.linear.scatter [tilespmem:s23], [sflag:$0x3], $0x80, $0x38;
	[tilespmem:$0x8100] =	vst v63  }
0x119: {  	s26 =	sadd.s32 $0x1, s26;
	_ =	swait.ge [sflag:s24], $0x80  }
0x11a: {  	p0 =	sne.s32 s26, s17;
	[sflag:s24] =	ssyncset.done $0x0  }
.Ltmp6:
0x11b: {  	[sflag:s24] =	ssyncadd.s32 $0xFFFFFF80;
	(pc) =	sbr.rel @p0 .LBB2_1-.Ltmp6, $4  }
0x11c: {  	[hbm4b:s16+s2] =	stream.linear.scatter [tilespmem:s25], [sflag:$0x3], $0x80, $0x38;
	[tilespmem:$0x8100] =	vst v63  }
0x11d: {  	_ =	swait.ge [sflag:s24], $0x80  }
0x11e: {  	[sflag:s24] =	ssyncset.done $0x0  }
0x11f: {  	[sflag:s24] =	ssyncadd.s32 $0xFFFFFF80  }
0x120: {  	_ =	sfence.sel $0x180000  }
0x121: {  	[bflag:$0x0] =	sbarrier.arrive $0xFFFF  }
0x122: {  	p0 =	sne.s32 s1, $0x0;
	_ =	strace $0x90000047  }
0x123: {  	s0 =	sadd.s32 @!p0 $0x100000, s0;
	[bflag:$0x2] =	sbarrier.arrive $0xFFFF  }
0x124: {  	[sflag:s0] =	ssyncadd.tile.s32 @!p0 $0x1;
	_ =	shalt  }
.Lfunc_end2:
_tile_overlayer_lowered:
.L_overlay_start_2:
0x125: {  	(tag) =	ssettag $0x2  }
0x126: {  	s0 =	rddreg [dreg:$0x0];
	s2 =	stileid.u32  }
0x127: {  	s1 =	rddreg [dreg:$0x1];
	p0 =	sne.s32 s2, $0x0  }
0x128: {  	s3 =	rddreg [dreg:$0x2];
	[bflag:$0x3] =	sbarrier.arrive $0xFFFF;
	s2 =	simm.s32 @!p0 $0x1C03  }
0x129: {  	[timem:s3], [sflag:s2] =	dma.local @!p0 [hbm:s0], s1  }
0x12a: {  	s0 =	simm.s32 @!p0 $0x3  }
0x12b: {  	_ =	swait.ge @!p0 [sflag:s0], s1  }
0x12c: {  	s1 =	ssub.s32 @!p0 $0x0, s1;
	[sflag:s0] =	ssyncset.done @!p0 $0x0  }
0x12d: {  	[sflag:s0] =	ssyncadd.s32 @!p0 s1  }
0x12e: {  	[bflag:$0x3] =	sbarrier.arrive $0xFFFF  }
0x12f: {  	_ =	shalt  }

</sc_bundles>
